<compile_context>
chip_gen: v7x
topology: tpu7x:2x2x1
jax: 0.10.2.dev20260603
libtpu: 0.0.44.dev20260713+nightly
codegen_flags: <defaults>
</compile_context>

<pallas_src>
import functools

import jax
import jax.numpy as jnp
from jax import lax
from jax.experimental import pallas as pl
from jax.experimental.pallas import tpu as pltpu
from jax.experimental.pallas import tpu_sc as plsc

_G = 128
_NC = 2
_NS = 16
_CH = 128
_BM = 1000


def _sc_aggregate(h_pad, src2, dst2, zeros, np_rows):
    d = h_pad.shape[1]
    ch = src2.shape[1]
    n_ch = src2.shape[0] // (_NC * _NS)
    n_ph = n_ch // 2
    stripe = np_rows // _NS
    mesh = plsc.VectorSubcoreMesh(core_axis_name="c", subcore_axis_name="s")

    @functools.partial(
        pl.kernel,
        mesh=mesh,
        out_type=jax.ShapeDtypeStruct((_NC * np_rows, d), jnp.float32),
        scratch_types=[
            pltpu.VMEM((n_ph, ch), jnp.int32),
            pltpu.VMEM((n_ph, ch), jnp.int32),
            pltpu.VMEM((ch, d), jnp.float32),
            pltpu.VMEM((ch, d), jnp.float32),
            pltpu.VMEM_SHARED((np_rows, d), jnp.float32),
            pltpu.SemaphoreType.DMA,
            pltpu.SemaphoreType.DMA,
        ],
    )
    def k(h_hbm, s_hbm, d_hbm, z_hbm, out_hbm, sidx, didx, rows0, rows1,
          acc, sem0, sem1):
        cid = lax.axis_index("c")
        sid = lax.axis_index("s")
        wid = cid * _NS + sid

        pltpu.sync_copy(z_hbm.at[pl.ds(sid * stripe, stripe)],
                        acc.at[pl.ds(sid * stripe, stripe)])
        plsc.subcore_barrier()

        @pl.loop(0, 2)
        def _(p):
            pltpu.sync_copy(s_hbm.at[pl.ds(wid * n_ch + p * n_ph, n_ph)], sidx)
            pltpu.sync_copy(d_hbm.at[pl.ds(wid * n_ch + p * n_ph, n_ph)], didx)
            pltpu.async_copy(h_hbm.at[sidx.at[0]], rows0, sem0)

            @pl.loop(0, n_ph // 2)
            def _(j):
                i0 = 2 * j
                pltpu.make_async_copy(h_hbm.at[sidx.at[i0]], rows0,
                                      sem0).wait()
                pltpu.async_copy(h_hbm.at[sidx.at[i0 + 1]], rows1, sem1)
                pltpu.sync_copy(rows0, acc.at[didx.at[i0]], add=True)
                pltpu.make_async_copy(h_hbm.at[sidx.at[i0 + 1]], rows1,
                                      sem1).wait()

                @pl.when(j < n_ph // 2 - 1)
                def _():
                    pltpu.async_copy(h_hbm.at[sidx.at[i0 + 2]], rows0, sem0)

                pltpu.sync_copy(rows1, acc.at[didx.at[i0 + 1]], add=True)

        plsc.subcore_barrier()
        pltpu.sync_copy(acc.at[pl.ds(sid * stripe, stripe)],
                        out_hbm.at[pl.ds(cid * np_rows + sid * stripe, stripe)])

    return k(h_pad, src2, dst2, zeros)


def _tc_matmul(x, w):
    n, d = x.shape
    h = w.shape[1]

    def body(x_ref, w_ref, o_ref):
        o_ref[...] = jnp.dot(x_ref[...], w_ref[...],
                             preferred_element_type=jnp.float32)

    return pl.pallas_call(
        body,
        grid=(n // _BM,),
        in_specs=[
            pl.BlockSpec((_BM, d), lambda i: (i, 0)),
            pl.BlockSpec((d, h), lambda i: (0, 0)),
        ],
        out_specs=pl.BlockSpec((_BM, h), lambda i: (i, 0)),
        out_shape=jax.ShapeDtypeStruct((n, h), jnp.float32),
    )(x, w)


def _tc_scale(deg_p, h1, n):
    d = h1.shape[1]

    def body(deg_ref, h_ref, hs_ref, dinv_ref):
        deg = deg_ref[0, :, 0:1] + deg_ref[1, :, 0:1] + 1.0
        dinv = lax.rsqrt(deg)
        dinvb = jnp.broadcast_to(dinv, (_BM, d))
        hs_ref[...] = h_ref[...] * dinvb
        dinv_ref[...] = dinvb

    return pl.pallas_call(
        body,
        grid=(n // _BM,),
        in_specs=[
            pl.BlockSpec((2, _BM, d), lambda i: (0, i, 0)),
            pl.BlockSpec((_BM, d), lambda i: (i, 0)),
        ],
        out_specs=[
            pl.BlockSpec((_BM, d), lambda i: (i, 0)),
            pl.BlockSpec((_BM, d), lambda i: (i, 0)),
        ],
        out_shape=[
            jax.ShapeDtypeStruct((n, d), jnp.float32),
            jax.ShapeDtypeStruct((n, d), jnp.float32),
        ],
    )(deg_p, h1)


def _tc_mid(agg1, h1s, dinvb, b1, w2, n):
    d = h1s.shape[1]

    def body(a_ref, hs_ref, di_ref, b_ref, w_ref, o_ref):
        t = (a_ref[0] + a_ref[1] + hs_ref[...]) * di_ref[...] + b_ref[...]
        t = jnp.maximum(t, 0.0)
        h2 = jnp.dot(t, w_ref[...], preferred_element_type=jnp.float32)
        o_ref[...] = h2 * di_ref[...]

    return pl.pallas_call(
        body,
        grid=(n // _BM,),
        in_specs=[
            pl.BlockSpec((2, _BM, d), lambda i: (0, i, 0)),
            pl.BlockSpec((_BM, d), lambda i: (i, 0)),
            pl.BlockSpec((_BM, d), lambda i: (i, 0)),
            pl.BlockSpec((1, d), lambda i: (0, 0)),
            pl.BlockSpec((d, d), lambda i: (0, 0)),
        ],
        out_specs=pl.BlockSpec((_BM, d), lambda i: (i, 0)),
        out_shape=jax.ShapeDtypeStruct((n, d), jnp.float32),
    )(agg1, h1s, dinvb, b1, w2)


def _tc_tail(agg2, h2s, dinvb, b2, batch_r, fc1_w, fc1_b, fc2_w, fc2_b, n):
    d = h2s.shape[1]
    c = fc2_w.shape[1]
    nblk = n // _BM

    def body(a_ref, hs_ref, di_ref, b_ref, bat_ref, w1_ref, bb1_ref,
             w2_ref, bb2_ref, o_ref, pooled):
        i = pl.program_id(0)
        t = (a_ref[0] + a_ref[1] + hs_ref[...]) * di_ref[...] + b_ref[...]
        t = jnp.maximum(t, 0.0)
        bvec = bat_ref[0, 0, :]
        oh = (bvec[:, None] == lax.broadcasted_iota(jnp.int32, (_BM, _G), 1))
        oh = oh.astype(jnp.float32)
        contrib = lax.dot_general(oh, t, (((0,), (0,)), ((), ())),
                                  preferred_element_type=jnp.float32)

        @pl.when(i == 0)
        def _():
            pooled[...] = contrib

        @pl.when(i > 0)
        def _():
            pooled[...] += contrib

        @pl.when(i == nblk - 1)
        def _():
            p = pooled[...]
            f = jnp.dot(p, w1_ref[...], preferred_element_type=jnp.float32)
            f = jnp.maximum(f + bb1_ref[...], 0.0)
            logits = jnp.dot(f, w2_ref[...],
                             preferred_element_type=jnp.float32) + bb2_ref[...]
            m = jnp.max(logits, axis=-1, keepdims=True)
            lse = m + jnp.log(jnp.sum(jnp.exp(logits - m), axis=-1,
                                      keepdims=True))
            o_ref[...] = logits - lse

    return pl.pallas_call(
        body,
        grid=(nblk,),
        in_specs=[
            pl.BlockSpec((2, _BM, d), lambda i: (0, i, 0)),
            pl.BlockSpec((_BM, d), lambda i: (i, 0)),
            pl.BlockSpec((_BM, d), lambda i: (i, 0)),
            pl.BlockSpec((1, d), lambda i: (0, 0)),
            pl.BlockSpec((1, 1, _BM), lambda i: (i, 0, 0)),
            pl.BlockSpec((d, d), lambda i: (0, 0)),
            pl.BlockSpec((1, d), lambda i: (0, 0)),
            pl.BlockSpec((d, c), lambda i: (0, 0)),
            pl.BlockSpec((1, c), lambda i: (0, 0)),
        ],
        out_specs=pl.BlockSpec((_G, c), lambda i: (0, 0)),
        out_shape=jax.ShapeDtypeStruct((_G, c), jnp.float32),
        scratch_shapes=[pltpu.VMEM((_G, d), jnp.float32)],
    )(agg2, h2s, dinvb, b2, batch_r, fc1_w, fc1_b, fc2_w, fc2_b)


def kernel(x, edge_index, batch, W1, b1, W2, b2, fc1_W, fc1_b, fc2_W, fc2_b):
    n, d = x.shape
    e = edge_index.shape[1]
    nw = _NC * _NS

    n_ch = -(-e // (nw * _CH))
    if n_ch % 2:
        n_ch += 1
    e_pad = n_ch * _CH * nw
    np_rows = ((n + 1 + 127) // 128) * 128

    src_p = jnp.concatenate(
        [edge_index[0], jnp.full((e_pad - e,), n, jnp.int32)]
    ).reshape(nw * n_ch, _CH)
    dst_p = jnp.concatenate(
        [edge_index[1], jnp.full((e_pad - e,), n, jnp.int32)]
    ).reshape(nw * n_ch, _CH)
    zeros_d = jnp.zeros((np_rows, d), jnp.float32)
    pad_rows = jnp.zeros((np_rows - n, d), jnp.float32)

    ones_tab = jnp.ones((8, d), jnp.float32)
    zsrc = jnp.zeros_like(src_p)
    deg_p = _sc_aggregate(ones_tab, zsrc, dst_p, zeros_d,
                          np_rows).reshape(_NC, np_rows, d)
    h1 = _tc_matmul(x, W1)
    h1s, dinvb = _tc_scale(deg_p, h1, n)

    src_a = src_p
    dst_a = dst_p
    agg1 = _sc_aggregate(jnp.concatenate([h1s, pad_rows]), src_a, dst_a,
                         zeros_d, np_rows).reshape(_NC, np_rows, d)
    h2s = _tc_mid(agg1, h1s, dinvb, b1.reshape(1, -1), W2, n)

    agg2 = _sc_aggregate(jnp.concatenate([h2s, pad_rows]), src_a, dst_a,
                         zeros_d, np_rows).reshape(_NC, np_rows, d)
    nblk = n // _BM
    out = _tc_tail(agg2, h2s, dinvb, b2.reshape(1, -1),
                   batch.reshape(nblk, 1, _BM), fc1_W, fc1_b.reshape(1, -1),
                   fc2_W, fc2_b.reshape(1, -1), n)
    return out

# --- scband reference (transcript-rebuilt; emitter-appended) ---
"""Pipeline reference for scband-gnngraph-custom-28080496181822 (READ-ONLY COPY).

The authoritative reference and input builder live on the scoring server;
editing this copy changes nothing except your own understanding.
"""

import jax, jax.numpy as jnp
import numpy as np

N = 10000
E = 320000
D = 128
H = 128
C = 10
G = 128


def _gcn_conv(x, edge_index, W, b):
    # PyG GCNConv: add self-loops, symmetric normalization, linear, scatter-add, bias
    n = x.shape[0]
    src = edge_index[0]
    dst = edge_index[1]
    loop = jnp.arange(n, dtype=src.dtype)
    src = jnp.concatenate([src, loop])
    dst = jnp.concatenate([dst, loop])
    deg = jnp.zeros((n,), x.dtype).at[dst].add(1.0)
    dinv = jnp.where(deg > 0, 1.0 / jnp.sqrt(deg), 0.0)
    norm = dinv[src] * dinv[dst]
    h = x @ W
    msg = h[src] * norm[:, None]
    out = jnp.zeros((n, W.shape[1]), x.dtype).at[dst].add(msg)
    return out + b


def setup_inputs(seed: int = 0):
    key = jax.random.key(seed)
    ks = jax.random.split(key, 12)
    x = jax.random.normal(ks[0], (N, D), dtype=jnp.float32)
    edge_index = jax.random.randint(ks[1], (2, E), 0, N, dtype=jnp.int32)
    batch = jnp.sort(jax.random.randint(ks[2], (N,), 0, G, dtype=jnp.int32))
    s = 1.0 / np.sqrt(D)
    W1 = jax.random.normal(ks[3], (D, H), dtype=jnp.float32) * s
    b1 = jnp.zeros((H,), dtype=jnp.float32)
    W2 = jax.random.normal(ks[4], (H, H), dtype=jnp.float32) * (1.0 / np.sqrt(H))
    b2 = jnp.zeros((H,), dtype=jnp.float32)
    fc1_W = jax.random.normal(ks[5], (H, H), dtype=jnp.float32) * (1.0 / np.sqrt(H))
    fc1_b = jnp.zeros((H,), dtype=jnp.float32)
    fc2_W = jax.random.normal(ks[6], (H, C), dtype=jnp.float32) * (1.0 / np.sqrt(H))
    fc2_b = jnp.zeros((C,), dtype=jnp.float32)
    return {"x": x, "edge_index": edge_index, "batch": batch, "W1": W1, "b1": b1, "W2": W2, "b2": b2, "fc1_W": fc1_W, "fc1_b": fc1_b, "fc2_W": fc2_W, "fc2_b": fc2_b}


def reference(x, edge_index, batch, W1, b1, W2, b2, fc1_W, fc1_b, fc2_W, fc2_b):
    h = jax.nn.relu(_gcn_conv(x, edge_index, W1, b1))
    h = jax.nn.relu(_gcn_conv(h, edge_index, W2, b2))
    pooled = jax.ops.segment_sum(h, batch, num_segments=G)
    h = jax.nn.relu(pooled @ fc1_W + fc1_b)
    # dropout p=0.5 with training=False (eval mode) -> identity
    logits = h @ fc2_W + fc2_b
    return jax.nn.log_softmax(logits, axis=-1)

if __name__ == "__main__":
    import jax
    _d = setup_inputs()
    print(jax.jit(kernel)(*tuple(_d.values())))

</pallas_src>

<mosaic_0001>
#map = affine_map<(d0, d1) -> (0, 0)>
module attributes {stable_mosaic.version = 14 : i64} {
  func.func @k(%arg0: i32, %arg1: i32, %arg2: memref<8x128xf32, #tpu.memory_space<hbm>>, %arg3: memref<2560x128xi32, #tpu.memory_space<hbm>>, %arg4: memref<2560x128xi32, #tpu.memory_space<hbm>>, %arg5: memref<10112x128xf32, #tpu.memory_space<hbm>>, %arg6: memref<20224x128xf32, #tpu.memory_space<hbm>>, %arg7: memref<40x128xi32, #tpu.memory_space<vmem>>, %arg8: memref<40x128xi32, #tpu.memory_space<vmem>>, %arg9: memref<128x128xf32, #tpu.memory_space<vmem>>, %arg10: memref<128x128xf32, #tpu.memory_space<vmem>>, %arg11: memref<10112x128xf32, #tpu.memory_space<vmem_shared>>, %arg12: memref<!tpu.dma_semaphore, #tpu.memory_space<semaphore_mem>>, %arg13: memref<!tpu.dma_semaphore, #tpu.memory_space<semaphore_mem>>) attributes {dimension_semantics = [#tpu.dimension_semantics<core_parallel>, #tpu.dimension_semantics<subcore_parallel>], iteration_bounds = array<i64: 2, 16>, scalar_prefetch = 0 : i64, scratch_operands = 7 : i64, tpu.core_type = #tpu.core_type<sc_vector_subcore>, window_params = [{transform_indices = #map}, {transform_indices = #map}, {transform_indices = #map}, {transform_indices = #map}, {transform_indices = #map}]} {
    %mul3A = arith.constant 16 : i32
    %mul3A_0 = arith.muli %arg0, %mul3A : i32
    %add3A = arith.addi %mul3A_0, %arg1 : i32
    %mul3A_1 = arith.constant 632 : i32
    %mul3A_2 = arith.muli %arg1, %mul3A_1 : i32
    %mul3A_3 = arith.constant 632 : i32
    %mul3A_4 = arith.muli %arg1, %mul3A_3 : i32
    "tpu.region"() ({
      %run_scoped3A = tpu.sem_alloc : memref<!tpu.dma_semaphore, #tpu.memory_space<semaphore_mem>>
      %dma_start3A = arith.constant 0 : i32
      %dma_start3A_17 = tpu.memref_slice %arg11[%mul3A_4, %dma_start3A] : memref<10112x128xf32, #tpu.memory_space<vmem_shared>> -> memref<632x128xf32, #tpu.memory_space<vmem_shared>>
      %dma_start3A_18 = arith.constant 0 : i32
      %dma_start3A_19 = tpu.memref_slice %arg5[%mul3A_2, %dma_start3A_18] : memref<10112x128xf32, #tpu.memory_space<hbm>> -> memref<632x128xf32, #tpu.memory_space<hbm>>
      tpu.enqueue_dma source(%dma_start3A_19 : memref<632x128xf32, #tpu.memory_space<hbm>>) target(%dma_start3A_17 : memref<632x128xf32, #tpu.memory_space<vmem_shared>>) target_semaphore(%run_scoped3A : memref<!tpu.dma_semaphore, #tpu.memory_space<semaphore_mem>>)
      %dma_wait3A = arith.constant 0 : i32
      %dma_wait3A_20 = tpu.memref_slice %arg11[%mul3A_4, %dma_wait3A] : memref<10112x128xf32, #tpu.memory_space<vmem_shared>> -> memref<632x128xf32, #tpu.memory_space<vmem_shared>>
      %dma_wait3A_21 = arith.constant 0 : i32
      %dma_wait3A_22 = tpu.memref_slice %arg5[%mul3A_2, %dma_wait3A_21] : memref<10112x128xf32, #tpu.memory_space<hbm>> -> memref<632x128xf32, #tpu.memory_space<hbm>>
      tpu.wait_dma2 semaphore(%run_scoped3A : memref<!tpu.dma_semaphore, #tpu.memory_space<semaphore_mem>>) src(%dma_wait3A_22 : memref<632x128xf32, #tpu.memory_space<hbm>>) dst(%dma_wait3A_20 : memref<632x128xf32, #tpu.memory_space<vmem_shared>>)
      tpu.yield
    }) : () -> ()
    %barrier3A = arith.constant 0 : index
    tpu.barrier barrier_id(%barrier3A)
    %scan3A = arith.constant 0 : i32
    %scan3A_5 = arith.constant 2 : i32
    %scan3A_6 = arith.addi %scan3A, %scan3A_5 : i32
    %scan3A_7 = arith.constant 1 : i32
    scf.for %scan3A_17 = %scan3A to %scan3A_6 step %scan3A_7  : i32 {
      %mul3A_18 = arith.constant 1 : i32
      %mul3A_19 = arith.muli %scan3A_17, %mul3A_18 : i32
      %add3A_20 = arith.constant 0 : i32
      %add3A_21 = arith.addi %add3A_20, %mul3A_19 : i32
      %mul3A_22 = arith.constant 80 : i32
      %mul3A_23 = arith.muli %add3A, %mul3A_22 : i32
      %mul3A_24 = arith.constant 40 : i32
      %mul3A_25 = arith.muli %add3A_21, %mul3A_24 : i32
      %add3A_26 = arith.addi %mul3A_23, %mul3A_25 : i32
      "tpu.region"() ({
        %run_scoped3A = tpu.sem_alloc : memref<!tpu.dma_semaphore, #tpu.memory_space<semaphore_mem>>
        %dma_start3A_43 = arith.constant 0 : i32
        %dma_start3A_44 = tpu.memref_slice %arg3[%add3A_26, %dma_start3A_43] : memref<2560x128xi32, #tpu.memory_space<hbm>> -> memref<40x128xi32, #tpu.memory_space<hbm>>
        %dma_start3A_45 = arith.constant 0 : i32
        %dma_start3A_46 = tpu.memref_slice %arg3[%add3A_26, %dma_start3A_45] : memref<2560x128xi32, #tpu.memory_space<hbm>> -> memref<40x128xi32, #tpu.memory_space<hbm>>
        tpu.enqueue_dma source(%dma_start3A_46 : memref<40x128xi32, #tpu.memory_space<hbm>>) target(%arg7 : memref<40x128xi32, #tpu.memory_space<vmem>>) target_semaphore(%run_scoped3A : memref<!tpu.dma_semaphore, #tpu.memory_space<semaphore_mem>>)
        %dma_wait3A = arith.constant 0 : i32
        %dma_wait3A_47 = tpu.memref_slice %arg3[%add3A_26, %dma_wait3A] : memref<2560x128xi32, #tpu.memory_space<hbm>> -> memref<40x128xi32, #tpu.memory_space<hbm>>
        %dma_wait3A_48 = arith.constant 0 : i32
        %dma_wait3A_49 = tpu.memref_slice %arg3[%add3A_26, %dma_wait3A_48] : memref<2560x128xi32, #tpu.memory_space<hbm>> -> memref<40x128xi32, #tpu.memory_space<hbm>>
        tpu.wait_dma2 semaphore(%run_scoped3A : memref<!tpu.dma_semaphore, #tpu.memory_space<semaphore_mem>>) src(%dma_wait3A_49 : memref<40x128xi32, #tpu.memory_space<hbm>>) dst(%arg7 : memref<40x128xi32, #tpu.memory_space<vmem>>)
        tpu.yield
      }) : () -> ()
      %mul3A_27 = arith.constant 80 : i32
      %mul3A_28 = arith.muli %add3A, %mul3A_27 : i32
      %mul3A_29 = arith.constant 40 : i32
      %mul3A_30 = arith.muli %add3A_21, %mul3A_29 : i32
      %add3A_31 = arith.addi %mul3A_28, %mul3A_30 : i32
      "tpu.region"() ({
        %run_scoped3A = tpu.sem_alloc : memref<!tpu.dma_semaphore, #tpu.memory_space<semaphore_mem>>
        %dma_start3A_43 = arith.constant 0 : i32
        %dma_start3A_44 = tpu.memref_slice %arg4[%add3A_31, %dma_start3A_43] : memref<2560x128xi32, #tpu.memory_space<hbm>> -> memref<40x128xi32, #tpu.memory_space<hbm>>
        %dma_start3A_45 = arith.constant 0 : i32
        %dma_start3A_46 = tpu.memref_slice %arg4[%add3A_31, %dma_start3A_45] : memref<2560x128xi32, #tpu.memory_space<hbm>> -> memref<40x128xi32, #tpu.memory_space<hbm>>
        tpu.enqueue_dma source(%dma_start3A_46 : memref<40x128xi32, #tpu.memory_space<hbm>>) target(%arg8 : memref<40x128xi32, #tpu.memory_space<vmem>>) target_semaphore(%run_scoped3A : memref<!tpu.dma_semaphore, #tpu.memory_space<semaphore_mem>>)
        %dma_wait3A = arith.constant 0 : i32
        %dma_wait3A_47 = tpu.memref_slice %arg4[%add3A_31, %dma_wait3A] : memref<2560x128xi32, #tpu.memory_space<hbm>> -> memref<40x128xi32, #tpu.memory_space<hbm>>
        %dma_wait3A_48 = arith.constant 0 : i32
        %dma_wait3A_49 = tpu.memref_slice %arg4[%add3A_31, %dma_wait3A_48] : memref<2560x128xi32, #tpu.memory_space<hbm>> -> memref<40x128xi32, #tpu.memory_space<hbm>>
        tpu.wait_dma2 semaphore(%run_scoped3A : memref<!tpu.dma_semaphore, #tpu.memory_space<semaphore_mem>>) src(%dma_wait3A_49 : memref<40x128xi32, #tpu.memory_space<hbm>>) dst(%arg8 : memref<40x128xi32, #tpu.memory_space<vmem>>)
        tpu.yield
      }) : () -> ()
      %dma_start3A = arith.constant 0 : i32
      %dma_start3A_32 = arith.constant 0 : i32
      %dma_start3A_33 = tpu.memref_slice %arg7[%dma_start3A, %dma_start3A_32] : memref<40x128xi32, #tpu.memory_space<vmem>> -> memref<1x128xi32, #tpu.memory_space<vmem>>
      %dma_start3A_34 = tpu.memref_squeeze %dma_start3A_33 : memref<1x128xi32, #tpu.memory_space<vmem>> -> memref<128xi32, #tpu.memory_space<vmem>>
      %dma_start3A_35 = arith.constant 0 : i32
      %dma_start3A_36 = arith.constant 0 : i32
      %dma_start3A_37 = tpu.memref_slice %arg2[%dma_start3A_35, %dma_start3A_36] : memref<8x128xf32, #tpu.memory_space<hbm>> -> memref<8x128xf32, #tpu.memory_space<hbm>>
      tpu.enqueue_indirect_dma source(%dma_start3A_37 : memref<8x128xf32, #tpu.memory_space<hbm>>) target(%arg9 : memref<128x128xf32, #tpu.memory_space<vmem>>) offsets(%dma_start3A_34 : memref<128xi32, #tpu.memory_space<vmem>>) semaphore(%arg12 : memref<!tpu.dma_semaphore, #tpu.memory_space<semaphore_mem>>)
      %scan3A_38 = arith.constant 0 : i32
      %scan3A_39 = arith.constant 20 : i32
      %scan3A_40 = arith.addi %scan3A_38, %scan3A_39 : i32
      %scan3A_41 = arith.constant 1 : i32
      scf.for %scan3A_43 = %scan3A_38 to %scan3A_40 step %scan3A_41  : i32 {
        %mul3A_44 = arith.constant 1 : i32
        %mul3A_45 = arith.muli %scan3A_43, %mul3A_44 : i32
        %add3A_46 = arith.constant 0 : i32
        %add3A_47 = arith.addi %add3A_46, %mul3A_45 : i32
        %mul3A_48 = arith.constant 2 : i32
        %mul3A_49 = arith.muli %mul3A_48, %add3A_47 : i32
        %dma_wait3A = arith.constant 0 : i32
        %dma_wait3A_50 = tpu.memref_slice %arg7[%mul3A_49, %dma_wait3A] : memref<40x128xi32, #tpu.memory_space<vmem>> -> memref<1x128xi32, #tpu.memory_space<vmem>>
        %dma_wait3A_51 = tpu.memref_squeeze %dma_wait3A_50 : memref<1x128xi32, #tpu.memory_space<vmem>> -> memref<128xi32, #tpu.memory_space<vmem>>
        %dma_wait3A_52 = arith.constant 0 : i32
        %dma_wait3A_53 = arith.constant 0 : i32
        %dma_wait3A_54 = tpu.memref_slice %arg2[%dma_wait3A_52, %dma_wait3A_53] : memref<8x128xf32, #tpu.memory_space<hbm>> -> memref<8x128xf32, #tpu.memory_space<hbm>>
        tpu.wait_indirect_dma semaphore(%arg12 : memref<!tpu.dma_semaphore, #tpu.memory_space<semaphore_mem>>) src(%dma_wait3A_54 : memref<8x128xf32, #tpu.memory_space<hbm>>) dst(%arg9 : memref<128x128xf32, #tpu.memory_space<vmem>>)
        %add3A_55 = arith.constant 1 : i32
        %add3A_56 = arith.addi %mul3A_49, %add3A_55 : i32
        %dma_start3A_57 = arith.constant 0 : i32
        %dma_start3A_58 = tpu.memref_slice %arg7[%add3A_56, %dma_start3A_57] : memref<40x128xi32, #tpu.memory_space<vmem>> -> memref<1x128xi32, #tpu.memory_space<vmem>>
        %dma_start3A_59 = tpu.memref_squeeze %dma_start3A_58 : memref<1x128xi32, #tpu.memory_space<vmem>> -> memref<128xi32, #tpu.memory_space<vmem>>
        %dma_start3A_60 = arith.constant 0 : i32
        %dma_start3A_61 = arith.constant 0 : i32
        %dma_start3A_62 = tpu.memref_slice %arg2[%dma_start3A_60, %dma_start3A_61] : memref<8x128xf32, #tpu.memory_space<hbm>> -> memref<8x128xf32, #tpu.memory_space<hbm>>
        tpu.enqueue_indirect_dma source(%dma_start3A_62 : memref<8x128xf32, #tpu.memory_space<hbm>>) target(%arg10 : memref<128x128xf32, #tpu.memory_space<vmem>>) offsets(%dma_start3A_59 : memref<128xi32, #tpu.memory_space<vmem>>) semaphore(%arg13 : memref<!tpu.dma_semaphore, #tpu.memory_space<semaphore_mem>>)
        "tpu.region"() ({
          %run_scoped3A = tpu.sem_alloc : memref<!tpu.dma_semaphore, #tpu.memory_space<semaphore_mem>>
          %dma_start3A_75 = arith.constant 0 : i32
          %dma_start3A_76 = tpu.memref_slice %arg8[%mul3A_49, %dma_start3A_75] : memref<40x128xi32, #tpu.memory_space<vmem>> -> memref<1x128xi32, #tpu.memory_space<vmem>>
          %dma_start3A_77 = tpu.memref_squeeze %dma_start3A_76 : memref<1x128xi32, #tpu.memory_space<vmem>> -> memref<128xi32, #tpu.memory_space<vmem>>
          %dma_start3A_78 = arith.constant 0 : i32
          %dma_start3A_79 = arith.constant 0 : i32
          %dma_start3A_80 = tpu.memref_slice %arg11[%dma_start3A_78, %dma_start3A_79] : memref<10112x128xf32, #tpu.memory_space<vmem_shared>> -> memref<10112x128xf32, #tpu.memory_space<vmem_shared>>
          tpu.enqueue_indirect_dma source(%arg9 : memref<128x128xf32, #tpu.memory_space<vmem>>) target(%dma_start3A_80 : memref<10112x128xf32, #tpu.memory_space<vmem_shared>>) offsets(%dma_start3A_77 : memref<128xi32, #tpu.memory_space<vmem>>) semaphore(%run_scoped3A : memref<!tpu.dma_semaphore, #tpu.memory_space<semaphore_mem>>) {add = true}
          %dma_wait3A_81 = arith.constant 0 : i32
          %dma_wait3A_82 = tpu.memref_slice %arg8[%mul3A_49, %dma_wait3A_81] : memref<40x128xi32, #tpu.memory_space<vmem>> -> memref<1x128xi32, #tpu.memory_space<vmem>>
          %dma_wait3A_83 = tpu.memref_squeeze %dma_wait3A_82 : memref<1x128xi32, #tpu.memory_space<vmem>> -> memref<128xi32, #tpu.memory_space<vmem>>
          %dma_wait3A_84 = arith.constant 0 : i32
          %dma_wait3A_85 = arith.constant 0 : i32
          %dma_wait3A_86 = tpu.memref_slice %arg11[%dma_wait3A_84, %dma_wait3A_85] : memref<10112x128xf32, #tpu.memory_space<vmem_shared>> -> memref<10112x128xf32, #tpu.memory_space<vmem_shared>>
          tpu.wait_indirect_dma semaphore(%run_scoped3A : memref<!tpu.dma_semaphore, #tpu.memory_space<semaphore_mem>>) src(%arg9 : memref<128x128xf32, #tpu.memory_space<vmem>>) dst(%dma_wait3A_86 : memref<10112x128xf32, #tpu.memory_space<vmem_shared>>)
          tpu.yield
        }) : () -> ()
        %add3A_63 = arith.constant 1 : i32
        %add3A_64 = arith.addi %mul3A_49, %add3A_63 : i32
        %dma_wait3A_65 = arith.constant 0 : i32
        %dma_wait3A_66 = tpu.memref_slice %arg7[%add3A_64, %dma_wait3A_65] : memref<40x128xi32, #tpu.memory_space<vmem>> -> memref<1x128xi32, #tpu.memory_space<vmem>>
        %dma_wait3A_67 = tpu.memref_squeeze %dma_wait3A_66 : memref<1x128xi32, #tpu.memory_space<vmem>> -> memref<128xi32, #tpu.memory_space<vmem>>
        %dma_wait3A_68 = arith.constant 0 : i32
        %dma_wait3A_69 = arith.constant 0 : i32
        %dma_wait3A_70 = tpu.memref_slice %arg2[%dma_wait3A_68, %dma_wait3A_69] : memref<8x128xf32, #tpu.memory_space<hbm>> -> memref<8x128xf32, #tpu.memory_space<hbm>>
        tpu.wait_indirect_dma semaphore(%arg13 : memref<!tpu.dma_semaphore, #tpu.memory_space<semaphore_mem>>) src(%dma_wait3A_70 : memref<8x128xf32, #tpu.memory_space<hbm>>) dst(%arg10 : memref<128x128xf32, #tpu.memory_space<vmem>>)
        %lt3A = arith.constant 19 : i32
        %lt3A_71 = arith.cmpi slt, %add3A_47, %lt3A : i32
        %convert_element_type3A = arith.extui %lt3A_71 : i1 to i32
        %cond3A = arith.constant 0 : i32
        %cond3A_72 = arith.cmpi ne, %convert_element_type3A, %cond3A : i32
        scf.if %cond3A_72 {
          %add3A_75 = arith.constant 2 : i32
          %add3A_76 = arith.addi %mul3A_49, %add3A_75 : i32
          %dma_start3A_77 = arith.constant 0 : i32
          %dma_start3A_78 = tpu.memref_slice %arg7[%add3A_76, %dma_start3A_77] : memref<40x128xi32, #tpu.memory_space<vmem>> -> memref<1x128xi32, #tpu.memory_space<vmem>>
          %dma_start3A_79 = tpu.memref_squeeze %dma_start3A_78 : memref<1x128xi32, #tpu.memory_space<vmem>> -> memref<128xi32, #tpu.memory_space<vmem>>
          %dma_start3A_80 = arith.constant 0 : i32
          %dma_start3A_81 = arith.constant 0 : i32
          %dma_start3A_82 = tpu.memref_slice %arg2[%dma_start3A_80, %dma_start3A_81] : memref<8x128xf32, #tpu.memory_space<hbm>> -> memref<8x128xf32, #tpu.memory_space<hbm>>
          tpu.enqueue_indirect_dma source(%dma_start3A_82 : memref<8x128xf32, #tpu.memory_space<hbm>>) target(%arg9 : memref<128x128xf32, #tpu.memory_space<vmem>>) offsets(%dma_start3A_79 : memref<128xi32, #tpu.memory_space<vmem>>) semaphore(%arg12 : memref<!tpu.dma_semaphore, #tpu.memory_space<semaphore_mem>>)
        } else {
        }
        %add3A_73 = arith.constant 1 : i32
        %add3A_74 = arith.addi %mul3A_49, %add3A_73 : i32
        "tpu.region"() ({
          %run_scoped3A = tpu.sem_alloc : memref<!tpu.dma_semaphore, #tpu.memory_space<semaphore_mem>>
          %dma_start3A_75 = arith.constant 0 : i32
          %dma_start3A_76 = tpu.memref_slice %arg8[%add3A_74, %dma_start3A_75] : memref<40x128xi32, #tpu.memory_space<vmem>> -> memref<1x128xi32, #tpu.memory_space<vmem>>
          %dma_start3A_77 = tpu.memref_squeeze %dma_start3A_76 : memref<1x128xi32, #tpu.memory_space<vmem>> -> memref<128xi32, #tpu.memory_space<vmem>>
          %dma_start3A_78 = arith.constant 0 : i32
          %dma_start3A_79 = arith.constant 0 : i32
          %dma_start3A_80 = tpu.memref_slice %arg11[%dma_start3A_78, %dma_start3A_79] : memref<10112x128xf32, #tpu.memory_space<vmem_shared>> -> memref<10112x128xf32, #tpu.memory_space<vmem_shared>>
          tpu.enqueue_indirect_dma source(%arg10 : memref<128x128xf32, #tpu.memory_space<vmem>>) target(%dma_start3A_80 : memref<10112x128xf32, #tpu.memory_space<vmem_shared>>) offsets(%dma_start3A_77 : memref<128xi32, #tpu.memory_space<vmem>>) semaphore(%run_scoped3A : memref<!tpu.dma_semaphore, #tpu.memory_space<semaphore_mem>>) {add = true}
          %dma_wait3A_81 = arith.constant 0 : i32
          %dma_wait3A_82 = tpu.memref_slice %arg8[%add3A_74, %dma_wait3A_81] : memref<40x128xi32, #tpu.memory_space<vmem>> -> memref<1x128xi32, #tpu.memory_space<vmem>>
          %dma_wait3A_83 = tpu.memref_squeeze %dma_wait3A_82 : memref<1x128xi32, #tpu.memory_space<vmem>> -> memref<128xi32, #tpu.memory_space<vmem>>
          %dma_wait3A_84 = arith.constant 0 : i32
          %dma_wait3A_85 = arith.constant 0 : i32
          %dma_wait3A_86 = tpu.memref_slice %arg11[%dma_wait3A_84, %dma_wait3A_85] : memref<10112x128xf32, #tpu.memory_space<vmem_shared>> -> memref<10112x128xf32, #tpu.memory_space<vmem_shared>>
          tpu.wait_indirect_dma semaphore(%run_scoped3A : memref<!tpu.dma_semaphore, #tpu.memory_space<semaphore_mem>>) src(%arg10 : memref<128x128xf32, #tpu.memory_space<vmem>>) dst(%dma_wait3A_86 : memref<10112x128xf32, #tpu.memory_space<vmem_shared>>)
          tpu.yield
        }) : () -> ()
      }
      %scan3A_42 = arith.constant 20 : i32
    }
    %scan3A_8 = arith.constant 2 : i32
    %barrier3A_9 = arith.constant 0 : index
    tpu.barrier barrier_id(%barrier3A_9)
    %mul3A_10 = arith.constant 632 : i32
    %mul3A_11 = arith.muli %arg1, %mul3A_10 : i32
    %mul3A_12 = arith.constant 10112 : i32
    %mul3A_13 = arith.muli %arg0, %mul3A_12 : i32
    %mul3A_14 = arith.constant 632 : i32
    %mul3A_15 = arith.muli %arg1, %mul3A_14 : i32
    %add3A_16 = arith.addi %mul3A_13, %mul3A_15 : i32
    "tpu.region"() ({
      %run_scoped3A = tpu.sem_alloc : memref<!tpu.dma_semaphore, #tpu.memory_space<semaphore_mem>>
      %dma_start3A = arith.constant 0 : i32
      %dma_start3A_17 = tpu.memref_slice %arg6[%add3A_16, %dma_start3A] : memref<20224x128xf32, #tpu.memory_space<hbm>> -> memref<632x128xf32, #tpu.memory_space<hbm>>
      %dma_start3A_18 = arith.constant 0 : i32
      %dma_start3A_19 = tpu.memref_slice %arg11[%mul3A_11, %dma_start3A_18] : memref<10112x128xf32, #tpu.memory_space<vmem_shared>> -> memref<632x128xf32, #tpu.memory_space<vmem_shared>>
      tpu.enqueue_dma source(%dma_start3A_19 : memref<632x128xf32, #tpu.memory_space<vmem_shared>>) target(%dma_start3A_17 : memref<632x128xf32, #tpu.memory_space<hbm>>) target_semaphore(%run_scoped3A : memref<!tpu.dma_semaphore, #tpu.memory_space<semaphore_mem>>)
      %dma_wait3A = arith.constant 0 : i32
      %dma_wait3A_20 = tpu.memref_slice %arg6[%add3A_16, %dma_wait3A] : memref<20224x128xf32, #tpu.memory_space<hbm>> -> memref<632x128xf32, #tpu.memory_space<hbm>>
      %dma_wait3A_21 = arith.constant 0 : i32
      %dma_wait3A_22 = tpu.memref_slice %arg11[%mul3A_11, %dma_wait3A_21] : memref<10112x128xf32, #tpu.memory_space<vmem_shared>> -> memref<632x128xf32, #tpu.memory_space<vmem_shared>>
      tpu.wait_dma2 semaphore(%run_scoped3A : memref<!tpu.dma_semaphore, #tpu.memory_space<semaphore_mem>>) src(%dma_wait3A_22 : memref<632x128xf32, #tpu.memory_space<vmem_shared>>) dst(%dma_wait3A_20 : memref<632x128xf32, #tpu.memory_space<hbm>>)
      tpu.yield
    }) : () -> ()
    return
  }
}

#map = affine_map<(d0, d1) -> (0, 0)>
module attributes {stable_mosaic.version = 14 : i64} {
  func.func @k(%arg0: i32, %arg1: i32, %arg2: memref<10112x128xf32, #tpu.memory_space<hbm>>, %arg3: memref<2560x128xi32, #tpu.memory_space<hbm>>, %arg4: memref<2560x128xi32, #tpu.memory_space<hbm>>, %arg5: memref<10112x128xf32, #tpu.memory_space<hbm>>, %arg6: memref<20224x128xf32, #tpu.memory_space<hbm>>, %arg7: memref<40x128xi32, #tpu.memory_space<vmem>>, %arg8: memref<40x128xi32, #tpu.memory_space<vmem>>, %arg9: memref<128x128xf32, #tpu.memory_space<vmem>>, %arg10: memref<128x128xf32, #tpu.memory_space<vmem>>, %arg11: memref<10112x128xf32, #tpu.memory_space<vmem_shared>>, %arg12: memref<!tpu.dma_semaphore, #tpu.memory_space<semaphore_mem>>, %arg13: memref<!tpu.dma_semaphore, #tpu.memory_space<semaphore_mem>>) attributes {dimension_semantics = [#tpu.dimension_semantics<core_parallel>, #tpu.dimension_semantics<subcore_parallel>], iteration_bounds = array<i64: 2, 16>, scalar_prefetch = 0 : i64, scratch_operands = 7 : i64, tpu.core_type = #tpu.core_type<sc_vector_subcore>, window_params = [{transform_indices = #map}, {transform_indices = #map}, {transform_indices = #map}, {transform_indices = #map}, {transform_indices = #map}]} {
    %mul3A = arith.constant 16 : i32
    %mul3A_0 = arith.muli %arg0, %mul3A : i32
    %add3A = arith.addi %mul3A_0, %arg1 : i32
    %mul3A_1 = arith.constant 632 : i32
    %mul3A_2 = arith.muli %arg1, %mul3A_1 : i32
    %mul3A_3 = arith.constant 632 : i32
    %mul3A_4 = arith.muli %arg1, %mul3A_3 : i32
    "tpu.region"() ({
      %run_scoped3A = tpu.sem_alloc : memref<!tpu.dma_semaphore, #tpu.memory_space<semaphore_mem>>
      %dma_start3A = arith.constant 0 : i32
      %dma_start3A_17 = tpu.memref_slice %arg11[%mul3A_4, %dma_start3A] : memref<10112x128xf32, #tpu.memory_space<vmem_shared>> -> memref<632x128xf32, #tpu.memory_space<vmem_shared>>
      %dma_start3A_18 = arith.constant 0 : i32
      %dma_start3A_19 = tpu.memref_slice %arg5[%mul3A_2, %dma_start3A_18] : memref<10112x128xf32, #tpu.memory_space<hbm>> -> memref<632x128xf32, #tpu.memory_space<hbm>>
      tpu.enqueue_dma source(%dma_start3A_19 : memref<632x128xf32, #tpu.memory_space<hbm>>) target(%dma_start3A_17 : memref<632x128xf32, #tpu.memory_space<vmem_shared>>) target_semaphore(%run_scoped3A : memref<!tpu.dma_semaphore, #tpu.memory_space<semaphore_mem>>)
      %dma_wait3A = arith.constant 0 : i32
      %dma_wait3A_20 = tpu.memref_slice %arg11[%mul3A_4, %dma_wait3A] : memref<10112x128xf32, #tpu.memory_space<vmem_shared>> -> memref<632x128xf32, #tpu.memory_space<vmem_shared>>
      %dma_wait3A_21 = arith.constant 0 : i32
      %dma_wait3A_22 = tpu.memref_slice %arg5[%mul3A_2, %dma_wait3A_21] : memref<10112x128xf32, #tpu.memory_space<hbm>> -> memref<632x128xf32, #tpu.memory_space<hbm>>
      tpu.wait_dma2 semaphore(%run_scoped3A : memref<!tpu.dma_semaphore, #tpu.memory_space<semaphore_mem>>) src(%dma_wait3A_22 : memref<632x128xf32, #tpu.memory_space<hbm>>) dst(%dma_wait3A_20 : memref<632x128xf32, #tpu.memory_space<vmem_shared>>)
      tpu.yield
    }) : () -> ()
    %barrier3A = arith.constant 0 : index
    tpu.barrier barrier_id(%barrier3A)
    %scan3A = arith.constant 0 : i32
    %scan3A_5 = arith.constant 2 : i32
    %scan3A_6 = arith.addi %scan3A, %scan3A_5 : i32
    %scan3A_7 = arith.constant 1 : i32
    scf.for %scan3A_17 = %scan3A to %scan3A_6 step %scan3A_7  : i32 {
      %mul3A_18 = arith.constant 1 : i32
      %mul3A_19 = arith.muli %scan3A_17, %mul3A_18 : i32
      %add3A_20 = arith.constant 0 : i32
      %add3A_21 = arith.addi %add3A_20, %mul3A_19 : i32
      %mul3A_22 = arith.constant 80 : i32
      %mul3A_23 = arith.muli %add3A, %mul3A_22 : i32
      %mul3A_24 = arith.constant 40 : i32
      %mul3A_25 = arith.muli %add3A_21, %mul3A_24 : i32
      %add3A_26 = arith.addi %mul3A_23, %mul3A_25 : i32
      "tpu.region"() ({
        %run_scoped3A = tpu.sem_alloc : memref<!tpu.dma_semaphore, #tpu.memory_space<semaphore_mem>>
        %dma_start3A_43 = arith.constant 0 : i32
        %dma_start3A_44 = tpu.memref_slice %arg3[%add3A_26, %dma_start3A_43] : memref<2560x128xi32, #tpu.memory_space<hbm>> -> memref<40x128xi32, #tpu.memory_space<hbm>>
        %dma_start3A_45 = arith.constant 0 : i32
        %dma_start3A_46 = tpu.memref_slice %arg3[%add3A_26, %dma_start3A_45] : memref<2560x128xi32, #tpu.memory_space<hbm>> -> memref<40x128xi32, #tpu.memory_space<hbm>>
        tpu.enqueue_dma source(%dma_start3A_46 : memref<40x128xi32, #tpu.memory_space<hbm>>) target(%arg7 : memref<40x128xi32, #tpu.memory_space<vmem>>) target_semaphore(%run_scoped3A : memref<!tpu.dma_semaphore, #tpu.memory_space<semaphore_mem>>)
        %dma_wait3A = arith.constant 0 : i32
        %dma_wait3A_47 = tpu.memref_slice %arg3[%add3A_26, %dma_wait3A] : memref<2560x128xi32, #tpu.memory_space<hbm>> -> memref<40x128xi32, #tpu.memory_space<hbm>>
        %dma_wait3A_48 = arith.constant 0 : i32
        %dma_wait3A_49 = tpu.memref_slice %arg3[%add3A_26, %dma_wait3A_48] : memref<2560x128xi32, #tpu.memory_space<hbm>> -> memref<40x128xi32, #tpu.memory_space<hbm>>
        tpu.wait_dma2 semaphore(%run_scoped3A : memref<!tpu.dma_semaphore, #tpu.memory_space<semaphore_mem>>) src(%dma_wait3A_49 : memref<40x128xi32, #tpu.memory_space<hbm>>) dst(%arg7 : memref<40x128xi32, #tpu.memory_space<vmem>>)
        tpu.yield
      }) : () -> ()
      %mul3A_27 = arith.constant 80 : i32
      %mul3A_28 = arith.muli %add3A, %mul3A_27 : i32
      %mul3A_29 = arith.constant 40 : i32
      %mul3A_30 = arith.muli %add3A_21, %mul3A_29 : i32
      %add3A_31 = arith.addi %mul3A_28, %mul3A_30 : i32
      "tpu.region"() ({
        %run_scoped3A = tpu.sem_alloc : memref<!tpu.dma_semaphore, #tpu.memory_space<semaphore_mem>>
        %dma_start3A_43 = arith.constant 0 : i32
        %dma_start3A_44 = tpu.memref_slice %arg4[%add3A_31, %dma_start3A_43] : memref<2560x128xi32, #tpu.memory_space<hbm>> -> memref<40x128xi32, #tpu.memory_space<hbm>>
        %dma_start3A_45 = arith.constant 0 : i32
        %dma_start3A_46 = tpu.memref_slice %arg4[%add3A_31, %dma_start3A_45] : memref<2560x128xi32, #tpu.memory_space<hbm>> -> memref<40x128xi32, #tpu.memory_space<hbm>>
        tpu.enqueue_dma source(%dma_start3A_46 : memref<40x128xi32, #tpu.memory_space<hbm>>) target(%arg8 : memref<40x128xi32, #tpu.memory_space<vmem>>) target_semaphore(%run_scoped3A : memref<!tpu.dma_semaphore, #tpu.memory_space<semaphore_mem>>)
        %dma_wait3A = arith.constant 0 : i32
        %dma_wait3A_47 = tpu.memref_slice %arg4[%add3A_31, %dma_wait3A] : memref<2560x128xi32, #tpu.memory_space<hbm>> -> memref<40x128xi32, #tpu.memory_space<hbm>>
        %dma_wait3A_48 = arith.constant 0 : i32
        %dma_wait3A_49 = tpu.memref_slice %arg4[%add3A_31, %dma_wait3A_48] : memref<2560x128xi32, #tpu.memory_space<hbm>> -> memref<40x128xi32, #tpu.memory_space<hbm>>
        tpu.wait_dma2 semaphore(%run_scoped3A : memref<!tpu.dma_semaphore, #tpu.memory_space<semaphore_mem>>) src(%dma_wait3A_49 : memref<40x128xi32, #tpu.memory_space<hbm>>) dst(%arg8 : memref<40x128xi32, #tpu.memory_space<vmem>>)
        tpu.yield
      }) : () -> ()
      %dma_start3A = arith.constant 0 : i32
      %dma_start3A_32 = arith.constant 0 : i32
      %dma_start3A_33 = tpu.memref_slice %arg7[%dma_start3A, %dma_start3A_32] : memref<40x128xi32, #tpu.memory_space<vmem>> -> memref<1x128xi32, #tpu.memory_space<vmem>>
      %dma_start3A_34 = tpu.memref_squeeze %dma_start3A_33 : memref<1x128xi32, #tpu.memory_space<vmem>> -> memref<128xi32, #tpu.memory_space<vmem>>
      %dma_start3A_35 = arith.constant 0 : i32
      %dma_start3A_36 = arith.constant 0 : i32
      %dma_start3A_37 = tpu.memref_slice %arg2[%dma_start3A_35, %dma_start3A_36] : memref<10112x128xf32, #tpu.memory_space<hbm>> -> memref<10112x128xf32, #tpu.memory_space<hbm>>
      tpu.enqueue_indirect_dma source(%dma_start3A_37 : memref<10112x128xf32, #tpu.memory_space<hbm>>) target(%arg9 : memref<128x128xf32, #tpu.memory_space<vmem>>) offsets(%dma_start3A_34 : memref<128xi32, #tpu.memory_space<vmem>>) semaphore(%arg12 : memref<!tpu.dma_semaphore, #tpu.memory_space<semaphore_mem>>)
      %scan3A_38 = arith.constant 0 : i32
      %scan3A_39 = arith.constant 20 : i32
      %scan3A_40 = arith.addi %scan3A_38, %scan3A_39 : i32
      %scan3A_41 = arith.constant 1 : i32
      scf.for %scan3A_43 = %scan3A_38 to %scan3A_40 step %scan3A_41  : i32 {
        %mul3A_44 = arith.constant 1 : i32
        %mul3A_45 = arith.muli %scan3A_43, %mul3A_44 : i32
        %add3A_46 = arith.constant 0 : i32
        %add3A_47 = arith.addi %add3A_46, %mul3A_45 : i32
        %mul3A_48 = arith.constant 2 : i32
        %mul3A_49 = arith.muli %mul3A_48, %add3A_47 : i32
        %dma_wait3A = arith.constant 0 : i32
        %dma_wait3A_50 = tpu.memref_slice %arg7[%mul3A_49, %dma_wait3A] : memref<40x128xi32, #tpu.memory_space<vmem>> -> memref<1x128xi32, #tpu.memory_space<vmem>>
        %dma_wait3A_51 = tpu.memref_squeeze %dma_wait3A_50 : memref<1x128xi32, #tpu.memory_space<vmem>> -> memref<128xi32, #tpu.memory_space<vmem>>
        %dma_wait3A_52 = arith.constant 0 : i32
        %dma_wait3A_53 = arith.constant 0 : i32
        %dma_wait3A_54 = tpu.memref_slice %arg2[%dma_wait3A_52, %dma_wait3A_53] : memref<10112x128xf32, #tpu.memory_space<hbm>> -> memref<10112x128xf32, #tpu.memory_space<hbm>>
        tpu.wait_indirect_dma semaphore(%arg12 : memref<!tpu.dma_semaphore, #tpu.memory_space<semaphore_mem>>) src(%dma_wait3A_54 : memref<10112x128xf32, #tpu.memory_space<hbm>>) dst(%arg9 : memref<128x128xf32, #tpu.memory_space<vmem>>)
        %add3A_55 = arith.constant 1 : i32
        %add3A_56 = arith.addi %mul3A_49, %add3A_55 : i32
        %dma_start3A_57 = arith.constant 0 : i32
        %dma_start3A_58 = tpu.memref_slice %arg7[%add3A_56, %dma_start3A_57] : memref<40x128xi32, #tpu.memory_space<vmem>> -> memref<1x128xi32, #tpu.memory_space<vmem>>
        %dma_start3A_59 = tpu.memref_squeeze %dma_start3A_58 : memref<1x128xi32, #tpu.memory_space<vmem>> -> memref<128xi32, #tpu.memory_space<vmem>>
        %dma_start3A_60 = arith.constant 0 : i32
        %dma_start3A_61 = arith.constant 0 : i32
        %dma_start3A_62 = tpu.memref_slice %arg2[%dma_start3A_60, %dma_start3A_61] : memref<10112x128xf32, #tpu.memory_space<hbm>> -> memref<10112x128xf32, #tpu.memory_space<hbm>>
        tpu.enqueue_indirect_dma source(%dma_start3A_62 : memref<10112x128xf32, #tpu.memory_space<hbm>>) target(%arg10 : memref<128x128xf32, #tpu.memory_space<vmem>>) offsets(%dma_start3A_59 : memref<128xi32, #tpu.memory_space<vmem>>) semaphore(%arg13 : memref<!tpu.dma_semaphore, #tpu.memory_space<semaphore_mem>>)
        "tpu.region"() ({
          %run_scoped3A = tpu.sem_alloc : memref<!tpu.dma_semaphore, #tpu.memory_space<semaphore_mem>>
          %dma_start3A_75 = arith.constant 0 : i32
          %dma_start3A_76 = tpu.memref_slice %arg8[%mul3A_49, %dma_start3A_75] : memref<40x128xi32, #tpu.memory_space<vmem>> -> memref<1x128xi32, #tpu.memory_space<vmem>>
          %dma_start3A_77 = tpu.memref_squeeze %dma_start3A_76 : memref<1x128xi32, #tpu.memory_space<vmem>> -> memref<128xi32, #tpu.memory_space<vmem>>
          %dma_start3A_78 = arith.constant 0 : i32
          %dma_start3A_79 = arith.constant 0 : i32
          %dma_start3A_80 = tpu.memref_slice %arg11[%dma_start3A_78, %dma_start3A_79] : memref<10112x128xf32, #tpu.memory_space<vmem_shared>> -> memref<10112x128xf32, #tpu.memory_space<vmem_shared>>
          tpu.enqueue_indirect_dma source(%arg9 : memref<128x128xf32, #tpu.memory_space<vmem>>) target(%dma_start3A_80 : memref<10112x128xf32, #tpu.memory_space<vmem_shared>>) offsets(%dma_start3A_77 : memref<128xi32, #tpu.memory_space<vmem>>) semaphore(%run_scoped3A : memref<!tpu.dma_semaphore, #tpu.memory_space<semaphore_mem>>) {add = true}
          %dma_wait3A_81 = arith.constant 0 : i32
          %dma_wait3A_82 = tpu.memref_slice %arg8[%mul3A_49, %dma_wait3A_81] : memref<40x128xi32, #tpu.memory_space<vmem>> -> memref<1x128xi32, #tpu.memory_space<vmem>>
          %dma_wait3A_83 = tpu.memref_squeeze %dma_wait3A_82 : memref<1x128xi32, #tpu.memory_space<vmem>> -> memref<128xi32, #tpu.memory_space<vmem>>
          %dma_wait3A_84 = arith.constant 0 : i32
          %dma_wait3A_85 = arith.constant 0 : i32
          %dma_wait3A_86 = tpu.memref_slice %arg11[%dma_wait3A_84, %dma_wait3A_85] : memref<10112x128xf32, #tpu.memory_space<vmem_shared>> -> memref<10112x128xf32, #tpu.memory_space<vmem_shared>>
          tpu.wait_indirect_dma semaphore(%run_scoped3A : memref<!tpu.dma_semaphore, #tpu.memory_space<semaphore_mem>>) src(%arg9 : memref<128x128xf32, #tpu.memory_space<vmem>>) dst(%dma_wait3A_86 : memref<10112x128xf32, #tpu.memory_space<vmem_shared>>)
          tpu.yield
        }) : () -> ()
        %add3A_63 = arith.constant 1 : i32
        %add3A_64 = arith.addi %mul3A_49, %add3A_63 : i32
        %dma_wait3A_65 = arith.constant 0 : i32
        %dma_wait3A_66 = tpu.memref_slice %arg7[%add3A_64, %dma_wait3A_65] : memref<40x128xi32, #tpu.memory_space<vmem>> -> memref<1x128xi32, #tpu.memory_space<vmem>>
        %dma_wait3A_67 = tpu.memref_squeeze %dma_wait3A_66 : memref<1x128xi32, #tpu.memory_space<vmem>> -> memref<128xi32, #tpu.memory_space<vmem>>
        %dma_wait3A_68 = arith.constant 0 : i32
        %dma_wait3A_69 = arith.constant 0 : i32
        %dma_wait3A_70 = tpu.memref_slice %arg2[%dma_wait3A_68, %dma_wait3A_69] : memref<10112x128xf32, #tpu.memory_space<hbm>> -> memref<10112x128xf32, #tpu.memory_space<hbm>>
        tpu.wait_indirect_dma semaphore(%arg13 : memref<!tpu.dma_semaphore, #tpu.memory_space<semaphore_mem>>) src(%dma_wait3A_70 : memref<10112x128xf32, #tpu.memory_space<hbm>>) dst(%arg10 : memref<128x128xf32, #tpu.memory_space<vmem>>)
        %lt3A = arith.constant 19 : i32
        %lt3A_71 = arith.cmpi slt, %add3A_47, %lt3A : i32
        %convert_element_type3A = arith.extui %lt3A_71 : i1 to i32
        %cond3A = arith.constant 0 : i32
        %cond3A_72 = arith.cmpi ne, %convert_element_type3A, %cond3A : i32
        scf.if %cond3A_72 {
          %add3A_75 = arith.constant 2 : i32
          %add3A_76 = arith.addi %mul3A_49, %add3A_75 : i32
          %dma_start3A_77 = arith.constant 0 : i32
          %dma_start3A_78 = tpu.memref_slice %arg7[%add3A_76, %dma_start3A_77] : memref<40x128xi32, #tpu.memory_space<vmem>> -> memref<1x128xi32, #tpu.memory_space<vmem>>
          %dma_start3A_79 = tpu.memref_squeeze %dma_start3A_78 : memref<1x128xi32, #tpu.memory_space<vmem>> -> memref<128xi32, #tpu.memory_space<vmem>>
          %dma_start3A_80 = arith.constant 0 : i32
          %dma_start3A_81 = arith.constant 0 : i32
          %dma_start3A_82 = tpu.memref_slice %arg2[%dma_start3A_80, %dma_start3A_81] : memref<10112x128xf32, #tpu.memory_space<hbm>> -> memref<10112x128xf32, #tpu.memory_space<hbm>>
          tpu.enqueue_indirect_dma source(%dma_start3A_82 : memref<10112x128xf32, #tpu.memory_space<hbm>>) target(%arg9 : memref<128x128xf32, #tpu.memory_space<vmem>>) offsets(%dma_start3A_79 : memref<128xi32, #tpu.memory_space<vmem>>) semaphore(%arg12 : memref<!tpu.dma_semaphore, #tpu.memory_space<semaphore_mem>>)
        } else {
        }
        %add3A_73 = arith.constant 1 : i32
        %add3A_74 = arith.addi %mul3A_49, %add3A_73 : i32
        "tpu.region"() ({
          %run_scoped3A = tpu.sem_alloc : memref<!tpu.dma_semaphore, #tpu.memory_space<semaphore_mem>>
          %dma_start3A_75 = arith.constant 0 : i32
          %dma_start3A_76 = tpu.memref_slice %arg8[%add3A_74, %dma_start3A_75] : memref<40x128xi32, #tpu.memory_space<vmem>> -> memref<1x128xi32, #tpu.memory_space<vmem>>
          %dma_start3A_77 = tpu.memref_squeeze %dma_start3A_76 : memref<1x128xi32, #tpu.memory_space<vmem>> -> memref<128xi32, #tpu.memory_space<vmem>>
          %dma_start3A_78 = arith.constant 0 : i32
          %dma_start3A_79 = arith.constant 0 : i32
          %dma_start3A_80 = tpu.memref_slice %arg11[%dma_start3A_78, %dma_start3A_79] : memref<10112x128xf32, #tpu.memory_space<vmem_shared>> -> memref<10112x128xf32, #tpu.memory_space<vmem_shared>>
          tpu.enqueue_indirect_dma source(%arg10 : memref<128x128xf32, #tpu.memory_space<vmem>>) target(%dma_start3A_80 : memref<10112x128xf32, #tpu.memory_space<vmem_shared>>) offsets(%dma_start3A_77 : memref<128xi32, #tpu.memory_space<vmem>>) semaphore(%run_scoped3A : memref<!tpu.dma_semaphore, #tpu.memory_space<semaphore_mem>>) {add = true}
          %dma_wait3A_81 = arith.constant 0 : i32
          %dma_wait3A_82 = tpu.memref_slice %arg8[%add3A_74, %dma_wait3A_81] : memref<40x128xi32, #tpu.memory_space<vmem>> -> memref<1x128xi32, #tpu.memory_space<vmem>>
          %dma_wait3A_83 = tpu.memref_squeeze %dma_wait3A_82 : memref<1x128xi32, #tpu.memory_space<vmem>> -> memref<128xi32, #tpu.memory_space<vmem>>
          %dma_wait3A_84 = arith.constant 0 : i32
          %dma_wait3A_85 = arith.constant 0 : i32
          %dma_wait3A_86 = tpu.memref_slice %arg11[%dma_wait3A_84, %dma_wait3A_85] : memref<10112x128xf32, #tpu.memory_space<vmem_shared>> -> memref<10112x128xf32, #tpu.memory_space<vmem_shared>>
          tpu.wait_indirect_dma semaphore(%run_scoped3A : memref<!tpu.dma_semaphore, #tpu.memory_space<semaphore_mem>>) src(%arg10 : memref<128x128xf32, #tpu.memory_space<vmem>>) dst(%dma_wait3A_86 : memref<10112x128xf32, #tpu.memory_space<vmem_shared>>)
          tpu.yield
        }) : () -> ()
      }
      %scan3A_42 = arith.constant 20 : i32
    }
    %scan3A_8 = arith.constant 2 : i32
    %barrier3A_9 = arith.constant 0 : index
    tpu.barrier barrier_id(%barrier3A_9)
    %mul3A_10 = arith.constant 632 : i32
    %mul3A_11 = arith.muli %arg1, %mul3A_10 : i32
    %mul3A_12 = arith.constant 10112 : i32
    %mul3A_13 = arith.muli %arg0, %mul3A_12 : i32
    %mul3A_14 = arith.constant 632 : i32
    %mul3A_15 = arith.muli %arg1, %mul3A_14 : i32
    %add3A_16 = arith.addi %mul3A_13, %mul3A_15 : i32
    "tpu.region"() ({
      %run_scoped3A = tpu.sem_alloc : memref<!tpu.dma_semaphore, #tpu.memory_space<semaphore_mem>>
      %dma_start3A = arith.constant 0 : i32
      %dma_start3A_17 = tpu.memref_slice %arg6[%add3A_16, %dma_start3A] : memref<20224x128xf32, #tpu.memory_space<hbm>> -> memref<632x128xf32, #tpu.memory_space<hbm>>
      %dma_start3A_18 = arith.constant 0 : i32
      %dma_start3A_19 = tpu.memref_slice %arg11[%mul3A_11, %dma_start3A_18] : memref<10112x128xf32, #tpu.memory_space<vmem_shared>> -> memref<632x128xf32, #tpu.memory_space<vmem_shared>>
      tpu.enqueue_dma source(%dma_start3A_19 : memref<632x128xf32, #tpu.memory_space<vmem_shared>>) target(%dma_start3A_17 : memref<632x128xf32, #tpu.memory_space<hbm>>) target_semaphore(%run_scoped3A : memref<!tpu.dma_semaphore, #tpu.memory_space<semaphore_mem>>)
      %dma_wait3A = arith.constant 0 : i32
      %dma_wait3A_20 = tpu.memref_slice %arg6[%add3A_16, %dma_wait3A] : memref<20224x128xf32, #tpu.memory_space<hbm>> -> memref<632x128xf32, #tpu.memory_space<hbm>>
      %dma_wait3A_21 = arith.constant 0 : i32
      %dma_wait3A_22 = tpu.memref_slice %arg11[%mul3A_11, %dma_wait3A_21] : memref<10112x128xf32, #tpu.memory_space<vmem_shared>> -> memref<632x128xf32, #tpu.memory_space<vmem_shared>>
      tpu.wait_dma2 semaphore(%run_scoped3A : memref<!tpu.dma_semaphore, #tpu.memory_space<semaphore_mem>>) src(%dma_wait3A_22 : memref<632x128xf32, #tpu.memory_space<vmem_shared>>) dst(%dma_wait3A_20 : memref<632x128xf32, #tpu.memory_space<hbm>>)
      tpu.yield
    }) : () -> ()
    return
  }
}

#map = affine_map<(d0, d1) -> (0, 0)>
module attributes {stable_mosaic.version = 14 : i64} {
  func.func @k(%arg0: i32, %arg1: i32, %arg2: memref<10112x128xf32, #tpu.memory_space<hbm>>, %arg3: memref<2560x128xi32, #tpu.memory_space<hbm>>, %arg4: memref<2560x128xi32, #tpu.memory_space<hbm>>, %arg5: memref<10112x128xf32, #tpu.memory_space<hbm>>, %arg6: memref<20224x128xf32, #tpu.memory_space<hbm>>, %arg7: memref<40x128xi32, #tpu.memory_space<vmem>>, %arg8: memref<40x128xi32, #tpu.memory_space<vmem>>, %arg9: memref<128x128xf32, #tpu.memory_space<vmem>>, %arg10: memref<128x128xf32, #tpu.memory_space<vmem>>, %arg11: memref<10112x128xf32, #tpu.memory_space<vmem_shared>>, %arg12: memref<!tpu.dma_semaphore, #tpu.memory_space<semaphore_mem>>, %arg13: memref<!tpu.dma_semaphore, #tpu.memory_space<semaphore_mem>>) attributes {dimension_semantics = [#tpu.dimension_semantics<core_parallel>, #tpu.dimension_semantics<subcore_parallel>], iteration_bounds = array<i64: 2, 16>, scalar_prefetch = 0 : i64, scratch_operands = 7 : i64, tpu.core_type = #tpu.core_type<sc_vector_subcore>, window_params = [{transform_indices = #map}, {transform_indices = #map}, {transform_indices = #map}, {transform_indices = #map}, {transform_indices = #map}]} {
    %mul3A = arith.constant 16 : i32
    %mul3A_0 = arith.muli %arg0, %mul3A : i32
    %add3A = arith.addi %mul3A_0, %arg1 : i32
    %mul3A_1 = arith.constant 632 : i32
    %mul3A_2 = arith.muli %arg1, %mul3A_1 : i32
    %mul3A_3 = arith.constant 632 : i32
    %mul3A_4 = arith.muli %arg1, %mul3A_3 : i32
    "tpu.region"() ({
      %run_scoped3A = tpu.sem_alloc : memref<!tpu.dma_semaphore, #tpu.memory_space<semaphore_mem>>
      %dma_start3A = arith.constant 0 : i32
      %dma_start3A_17 = tpu.memref_slice %arg11[%mul3A_4, %dma_start3A] : memref<10112x128xf32, #tpu.memory_space<vmem_shared>> -> memref<632x128xf32, #tpu.memory_space<vmem_shared>>
      %dma_start3A_18 = arith.constant 0 : i32
      %dma_start3A_19 = tpu.memref_slice %arg5[%mul3A_2, %dma_start3A_18] : memref<10112x128xf32, #tpu.memory_space<hbm>> -> memref<632x128xf32, #tpu.memory_space<hbm>>
      tpu.enqueue_dma source(%dma_start3A_19 : memref<632x128xf32, #tpu.memory_space<hbm>>) target(%dma_start3A_17 : memref<632x128xf32, #tpu.memory_space<vmem_shared>>) target_semaphore(%run_scoped3A : memref<!tpu.dma_semaphore, #tpu.memory_space<semaphore_mem>>)
      %dma_wait3A = arith.constant 0 : i32
      %dma_wait3A_20 = tpu.memref_slice %arg11[%mul3A_4, %dma_wait3A] : memref<10112x128xf32, #tpu.memory_space<vmem_shared>> -> memref<632x128xf32, #tpu.memory_space<vmem_shared>>
      %dma_wait3A_21 = arith.constant 0 : i32
      %dma_wait3A_22 = tpu.memref_slice %arg5[%mul3A_2, %dma_wait3A_21] : memref<10112x128xf32, #tpu.memory_space<hbm>> -> memref<632x128xf32, #tpu.memory_space<hbm>>
      tpu.wait_dma2 semaphore(%run_scoped3A : memref<!tpu.dma_semaphore, #tpu.memory_space<semaphore_mem>>) src(%dma_wait3A_22 : memref<632x128xf32, #tpu.memory_space<hbm>>) dst(%dma_wait3A_20 : memref<632x128xf32, #tpu.memory_space<vmem_shared>>)
      tpu.yield
    }) : () -> ()
    %barrier3A = arith.constant 0 : index
    tpu.barrier barrier_id(%barrier3A)
    %scan3A = arith.constant 0 : i32
    %scan3A_5 = arith.constant 2 : i32
    %scan3A_6 = arith.addi %scan3A, %scan3A_5 : i32
    %scan3A_7 = arith.constant 1 : i32
    scf.for %scan3A_17 = %scan3A to %scan3A_6 step %scan3A_7  : i32 {
      %mul3A_18 = arith.constant 1 : i32
      %mul3A_19 = arith.muli %scan3A_17, %mul3A_18 : i32
      %add3A_20 = arith.constant 0 : i32
      %add3A_21 = arith.addi %add3A_20, %mul3A_19 : i32
      %mul3A_22 = arith.constant 80 : i32
      %mul3A_23 = arith.muli %add3A, %mul3A_22 : i32
      %mul3A_24 = arith.constant 40 : i32
      %mul3A_25 = arith.muli %add3A_21, %mul3A_24 : i32
      %add3A_26 = arith.addi %mul3A_23, %mul3A_25 : i32
      "tpu.region"() ({
        %run_scoped3A = tpu.sem_alloc : memref<!tpu.dma_semaphore, #tpu.memory_space<semaphore_mem>>
        %dma_start3A_43 = arith.constant 0 : i32
        %dma_start3A_44 = tpu.memref_slice %arg3[%add3A_26, %dma_start3A_43] : memref<2560x128xi32, #tpu.memory_space<hbm>> -> memref<40x128xi32, #tpu.memory_space<hbm>>
        %dma_start3A_45 = arith.constant 0 : i32
        %dma_start3A_46 = tpu.memref_slice %arg3[%add3A_26, %dma_start3A_45] : memref<2560x128xi32, #tpu.memory_space<hbm>> -> memref<40x128xi32, #tpu.memory_space<hbm>>
        tpu.enqueue_dma source(%dma_start3A_46 : memref<40x128xi32, #tpu.memory_space<hbm>>) target(%arg7 : memref<40x128xi32, #tpu.memory_space<vmem>>) target_semaphore(%run_scoped3A : memref<!tpu.dma_semaphore, #tpu.memory_space<semaphore_mem>>)
        %dma_wait3A = arith.constant 0 : i32
        %dma_wait3A_47 = tpu.memref_slice %arg3[%add3A_26, %dma_wait3A] : memref<2560x128xi32, #tpu.memory_space<hbm>> -> memref<40x128xi32, #tpu.memory_space<hbm>>
        %dma_wait3A_48 = arith.constant 0 : i32
        %dma_wait3A_49 = tpu.memref_slice %arg3[%add3A_26, %dma_wait3A_48] : memref<2560x128xi32, #tpu.memory_space<hbm>> -> memref<40x128xi32, #tpu.memory_space<hbm>>
        tpu.wait_dma2 semaphore(%run_scoped3A : memref<!tpu.dma_semaphore, #tpu.memory_space<semaphore_mem>>) src(%dma_wait3A_49 : memref<40x128xi32, #tpu.memory_space<hbm>>) dst(%arg7 : memref<40x128xi32, #tpu.memory_space<vmem>>)
        tpu.yield
      }) : () -> ()
      %mul3A_27 = arith.constant 80 : i32
      %mul3A_28 = arith.muli %add3A, %mul3A_27 : i32
      %mul3A_29 = arith.constant 40 : i32
      %mul3A_30 = arith.muli %add3A_21, %mul3A_29 : i32
      %add3A_31 = arith.addi %mul3A_28, %mul3A_30 : i32
      "tpu.region"() ({
        %run_scoped3A = tpu.sem_alloc : memref<!tpu.dma_semaphore, #tpu.memory_space<semaphore_mem>>
        %dma_start3A_43 = arith.constant 0 : i32
        %dma_start3A_44 = tpu.memref_slice %arg4[%add3A_31, %dma_start3A_43] : memref<2560x128xi32, #tpu.memory_space<hbm>> -> memref<40x128xi32, #tpu.memory_space<hbm>>
        %dma_start3A_45 = arith.constant 0 : i32
        %dma_start3A_46 = tpu.memref_slice %arg4[%add3A_31, %dma_start3A_45] : memref<2560x128xi32, #tpu.memory_space<hbm>> -> memref<40x128xi32, #tpu.memory_space<hbm>>
        tpu.enqueue_dma source(%dma_start3A_46 : memref<40x128xi32, #tpu.memory_space<hbm>>) target(%arg8 : memref<40x128xi32, #tpu.memory_space<vmem>>) target_semaphore(%run_scoped3A : memref<!tpu.dma_semaphore, #tpu.memory_space<semaphore_mem>>)
        %dma_wait3A = arith.constant 0 : i32
        %dma_wait3A_47 = tpu.memref_slice %arg4[%add3A_31, %dma_wait3A] : memref<2560x128xi32, #tpu.memory_space<hbm>> -> memref<40x128xi32, #tpu.memory_space<hbm>>
        %dma_wait3A_48 = arith.constant 0 : i32
        %dma_wait3A_49 = tpu.memref_slice %arg4[%add3A_31, %dma_wait3A_48] : memref<2560x128xi32, #tpu.memory_space<hbm>> -> memref<40x128xi32, #tpu.memory_space<hbm>>
        tpu.wait_dma2 semaphore(%run_scoped3A : memref<!tpu.dma_semaphore, #tpu.memory_space<semaphore_mem>>) src(%dma_wait3A_49 : memref<40x128xi32, #tpu.memory_space<hbm>>) dst(%arg8 : memref<40x128xi32, #tpu.memory_space<vmem>>)
        tpu.yield
      }) : () -> ()
      %dma_start3A = arith.constant 0 : i32
      %dma_start3A_32 = arith.constant 0 : i32
      %dma_start3A_33 = tpu.memref_slice %arg7[%dma_start3A, %dma_start3A_32] : memref<40x128xi32, #tpu.memory_space<vmem>> -> memref<1x128xi32, #tpu.memory_space<vmem>>
      %dma_start3A_34 = tpu.memref_squeeze %dma_start3A_33 : memref<1x128xi32, #tpu.memory_space<vmem>> -> memref<128xi32, #tpu.memory_space<vmem>>
      %dma_start3A_35 = arith.constant 0 : i32
      %dma_start3A_36 = arith.constant 0 : i32
      %dma_start3A_37 = tpu.memref_slice %arg2[%dma_start3A_35, %dma_start3A_36] : memref<10112x128xf32, #tpu.memory_space<hbm>> -> memref<10112x128xf32, #tpu.memory_space<hbm>>
      tpu.enqueue_indirect_dma source(%dma_start3A_37 : memref<10112x128xf32, #tpu.memory_space<hbm>>) target(%arg9 : memref<128x128xf32, #tpu.memory_space<vmem>>) offsets(%dma_start3A_34 : memref<128xi32, #tpu.memory_space<vmem>>) semaphore(%arg12 : memref<!tpu.dma_semaphore, #tpu.memory_space<semaphore_mem>>)
      %scan3A_38 = arith.constant 0 : i32
      %scan3A_39 = arith.constant 20 : i32
      %scan3A_40 = arith.addi %scan3A_38, %scan3A_39 : i32
      %scan3A_41 = arith.constant 1 : i32
      scf.for %scan3A_43 = %scan3A_38 to %scan3A_40 step %scan3A_41  : i32 {
        %mul3A_44 = arith.constant 1 : i32
        %mul3A_45 = arith.muli %scan3A_43, %mul3A_44 : i32
        %add3A_46 = arith.constant 0 : i32
        %add3A_47 = arith.addi %add3A_46, %mul3A_45 : i32
        %mul3A_48 = arith.constant 2 : i32
        %mul3A_49 = arith.muli %mul3A_48, %add3A_47 : i32
        %dma_wait3A = arith.constant 0 : i32
        %dma_wait3A_50 = tpu.memref_slice %arg7[%mul3A_49, %dma_wait3A] : memref<40x128xi32, #tpu.memory_space<vmem>> -> memref<1x128xi32, #tpu.memory_space<vmem>>
        %dma_wait3A_51 = tpu.memref_squeeze %dma_wait3A_50 : memref<1x128xi32, #tpu.memory_space<vmem>> -> memref<128xi32, #tpu.memory_space<vmem>>
        %dma_wait3A_52 = arith.constant 0 : i32
        %dma_wait3A_53 = arith.constant 0 : i32
        %dma_wait3A_54 = tpu.memref_slice %arg2[%dma_wait3A_52, %dma_wait3A_53] : memref<10112x128xf32, #tpu.memory_space<hbm>> -> memref<10112x128xf32, #tpu.memory_space<hbm>>
        tpu.wait_indirect_dma semaphore(%arg12 : memref<!tpu.dma_semaphore, #tpu.memory_space<semaphore_mem>>) src(%dma_wait3A_54 : memref<10112x128xf32, #tpu.memory_space<hbm>>) dst(%arg9 : memref<128x128xf32, #tpu.memory_space<vmem>>)
        %add3A_55 = arith.constant 1 : i32
        %add3A_56 = arith.addi %mul3A_49, %add3A_55 : i32
        %dma_start3A_57 = arith.constant 0 : i32
        %dma_start3A_58 = tpu.memref_slice %arg7[%add3A_56, %dma_start3A_57] : memref<40x128xi32, #tpu.memory_space<vmem>> -> memref<1x128xi32, #tpu.memory_space<vmem>>
        %dma_start3A_59 = tpu.memref_squeeze %dma_start3A_58 : memref<1x128xi32, #tpu.memory_space<vmem>> -> memref<128xi32, #tpu.memory_space<vmem>>
        %dma_start3A_60 = arith.constant 0 : i32
        %dma_start3A_61 = arith.constant 0 : i32
        %dma_start3A_62 = tpu.memref_slice %arg2[%dma_start3A_60, %dma_start3A_61] : memref<10112x128xf32, #tpu.memory_space<hbm>> -> memref<10112x128xf32, #tpu.memory_space<hbm>>
        tpu.enqueue_indirect_dma source(%dma_start3A_62 : memref<10112x128xf32, #tpu.memory_space<hbm>>) target(%arg10 : memref<128x128xf32, #tpu.memory_space<vmem>>) offsets(%dma_start3A_59 : memref<128xi32, #tpu.memory_space<vmem>>) semaphore(%arg13 : memref<!tpu.dma_semaphore, #tpu.memory_space<semaphore_mem>>)
        "tpu.region"() ({
          %run_scoped3A = tpu.sem_alloc : memref<!tpu.dma_semaphore, #tpu.memory_space<semaphore_mem>>
          %dma_start3A_75 = arith.constant 0 : i32
          %dma_start3A_76 = tpu.memref_slice %arg8[%mul3A_49, %dma_start3A_75] : memref<40x128xi32, #tpu.memory_space<vmem>> -> memref<1x128xi32, #tpu.memory_space<vmem>>
          %dma_start3A_77 = tpu.memref_squeeze %dma_start3A_76 : memref<1x128xi32, #tpu.memory_space<vmem>> -> memref<128xi32, #tpu.memory_space<vmem>>
          %dma_start3A_78 = arith.constant 0 : i32
          %dma_start3A_79 = arith.constant 0 : i32
          %dma_start3A_80 = tpu.memref_slice %arg11[%dma_start3A_78, %dma_start3A_79] : memref<10112x128xf32, #tpu.memory_space<vmem_shared>> -> memref<10112x128xf32, #tpu.memory_space<vmem_shared>>
          tpu.enqueue_indirect_dma source(%arg9 : memref<128x128xf32, #tpu.memory_space<vmem>>) target(%dma_start3A_80 : memref<10112x128xf32, #tpu.memory_space<vmem_shared>>) offsets(%dma_start3A_77 : memref<128xi32, #tpu.memory_space<vmem>>) semaphore(%run_scoped3A : memref<!tpu.dma_semaphore, #tpu.memory_space<semaphore_mem>>) {add = true}
          %dma_wait3A_81 = arith.constant 0 : i32
          %dma_wait3A_82 = tpu.memref_slice %arg8[%mul3A_49, %dma_wait3A_81] : memref<40x128xi32, #tpu.memory_space<vmem>> -> memref<1x128xi32, #tpu.memory_space<vmem>>
          %dma_wait3A_83 = tpu.memref_squeeze %dma_wait3A_82 : memref<1x128xi32, #tpu.memory_space<vmem>> -> memref<128xi32, #tpu.memory_space<vmem>>
          %dma_wait3A_84 = arith.constant 0 : i32
          %dma_wait3A_85 = arith.constant 0 : i32
          %dma_wait3A_86 = tpu.memref_slice %arg11[%dma_wait3A_84, %dma_wait3A_85] : memref<10112x128xf32, #tpu.memory_space<vmem_shared>> -> memref<10112x128xf32, #tpu.memory_space<vmem_shared>>
          tpu.wait_indirect_dma semaphore(%run_scoped3A : memref<!tpu.dma_semaphore, #tpu.memory_space<semaphore_mem>>) src(%arg9 : memref<128x128xf32, #tpu.memory_space<vmem>>) dst(%dma_wait3A_86 : memref<10112x128xf32, #tpu.memory_space<vmem_shared>>)
          tpu.yield
        }) : () -> ()
        %add3A_63 = arith.constant 1 : i32
        %add3A_64 = arith.addi %mul3A_49, %add3A_63 : i32
        %dma_wait3A_65 = arith.constant 0 : i32
        %dma_wait3A_66 = tpu.memref_slice %arg7[%add3A_64, %dma_wait3A_65] : memref<40x128xi32, #tpu.memory_space<vmem>> -> memref<1x128xi32, #tpu.memory_space<vmem>>
        %dma_wait3A_67 = tpu.memref_squeeze %dma_wait3A_66 : memref<1x128xi32, #tpu.memory_space<vmem>> -> memref<128xi32, #tpu.memory_space<vmem>>
        %dma_wait3A_68 = arith.constant 0 : i32
        %dma_wait3A_69 = arith.constant 0 : i32
        %dma_wait3A_70 = tpu.memref_slice %arg2[%dma_wait3A_68, %dma_wait3A_69] : memref<10112x128xf32, #tpu.memory_space<hbm>> -> memref<10112x128xf32, #tpu.memory_space<hbm>>
        tpu.wait_indirect_dma semaphore(%arg13 : memref<!tpu.dma_semaphore, #tpu.memory_space<semaphore_mem>>) src(%dma_wait3A_70 : memref<10112x128xf32, #tpu.memory_space<hbm>>) dst(%arg10 : memref<128x128xf32, #tpu.memory_space<vmem>>)
        %lt3A = arith.constant 19 : i32
        %lt3A_71 = arith.cmpi slt, %add3A_47, %lt3A : i32
        %convert_element_type3A = arith.extui %lt3A_71 : i1 to i32
        %cond3A = arith.constant 0 : i32
        %cond3A_72 = arith.cmpi ne, %convert_element_type3A, %cond3A : i32
        scf.if %cond3A_72 {
          %add3A_75 = arith.constant 2 : i32
          %add3A_76 = arith.addi %mul3A_49, %add3A_75 : i32
          %dma_start3A_77 = arith.constant 0 : i32
          %dma_start3A_78 = tpu.memref_slice %arg7[%add3A_76, %dma_start3A_77] : memref<40x128xi32, #tpu.memory_space<vmem>> -> memref<1x128xi32, #tpu.memory_space<vmem>>
          %dma_start3A_79 = tpu.memref_squeeze %dma_start3A_78 : memref<1x128xi32, #tpu.memory_space<vmem>> -> memref<128xi32, #tpu.memory_space<vmem>>
          %dma_start3A_80 = arith.constant 0 : i32
          %dma_start3A_81 = arith.constant 0 : i32
          %dma_start3A_82 = tpu.memref_slice %arg2[%dma_start3A_80, %dma_start3A_81] : memref<10112x128xf32, #tpu.memory_space<hbm>> -> memref<10112x128xf32, #tpu.memory_space<hbm>>
          tpu.enqueue_indirect_dma source(%dma_start3A_82 : memref<10112x128xf32, #tpu.memory_space<hbm>>) target(%arg9 : memref<128x128xf32, #tpu.memory_space<vmem>>) offsets(%dma_start3A_79 : memref<128xi32, #tpu.memory_space<vmem>>) semaphore(%arg12 : memref<!tpu.dma_semaphore, #tpu.memory_space<semaphore_mem>>)
        } else {
        }
        %add3A_73 = arith.constant 1 : i32
        %add3A_74 = arith.addi %mul3A_49, %add3A_73 : i32
        "tpu.region"() ({
          %run_scoped3A = tpu.sem_alloc : memref<!tpu.dma_semaphore, #tpu.memory_space<semaphore_mem>>
          %dma_start3A_75 = arith.constant 0 : i32
          %dma_start3A_76 = tpu.memref_slice %arg8[%add3A_74, %dma_start3A_75] : memref<40x128xi32, #tpu.memory_space<vmem>> -> memref<1x128xi32, #tpu.memory_space<vmem>>
          %dma_start3A_77 = tpu.memref_squeeze %dma_start3A_76 : memref<1x128xi32, #tpu.memory_space<vmem>> -> memref<128xi32, #tpu.memory_space<vmem>>
          %dma_start3A_78 = arith.constant 0 : i32
          %dma_start3A_79 = arith.constant 0 : i32
          %dma_start3A_80 = tpu.memref_slice %arg11[%dma_start3A_78, %dma_start3A_79] : memref<10112x128xf32, #tpu.memory_space<vmem_shared>> -> memref<10112x128xf32, #tpu.memory_space<vmem_shared>>
          tpu.enqueue_indirect_dma source(%arg10 : memref<128x128xf32, #tpu.memory_space<vmem>>) target(%dma_start3A_80 : memref<10112x128xf32, #tpu.memory_space<vmem_shared>>) offsets(%dma_start3A_77 : memref<128xi32, #tpu.memory_space<vmem>>) semaphore(%run_scoped3A : memref<!tpu.dma_semaphore, #tpu.memory_space<semaphore_mem>>) {add = true}
          %dma_wait3A_81 = arith.constant 0 : i32
          %dma_wait3A_82 = tpu.memref_slice %arg8[%add3A_74, %dma_wait3A_81] : memref<40x128xi32, #tpu.memory_space<vmem>> -> memref<1x128xi32, #tpu.memory_space<vmem>>
          %dma_wait3A_83 = tpu.memref_squeeze %dma_wait3A_82 : memref<1x128xi32, #tpu.memory_space<vmem>> -> memref<128xi32, #tpu.memory_space<vmem>>
          %dma_wait3A_84 = arith.constant 0 : i32
          %dma_wait3A_85 = arith.constant 0 : i32
          %dma_wait3A_86 = tpu.memref_slice %arg11[%dma_wait3A_84, %dma_wait3A_85] : memref<10112x128xf32, #tpu.memory_space<vmem_shared>> -> memref<10112x128xf32, #tpu.memory_space<vmem_shared>>
          tpu.wait_indirect_dma semaphore(%run_scoped3A : memref<!tpu.dma_semaphore, #tpu.memory_space<semaphore_mem>>) src(%arg10 : memref<128x128xf32, #tpu.memory_space<vmem>>) dst(%dma_wait3A_86 : memref<10112x128xf32, #tpu.memory_space<vmem_shared>>)
          tpu.yield
        }) : () -> ()
      }
      %scan3A_42 = arith.constant 20 : i32
    }
    %scan3A_8 = arith.constant 2 : i32
    %barrier3A_9 = arith.constant 0 : index
    tpu.barrier barrier_id(%barrier3A_9)
    %mul3A_10 = arith.constant 632 : i32
    %mul3A_11 = arith.muli %arg1, %mul3A_10 : i32
    %mul3A_12 = arith.constant 10112 : i32
    %mul3A_13 = arith.muli %arg0, %mul3A_12 : i32
    %mul3A_14 = arith.constant 632 : i32
    %mul3A_15 = arith.muli %arg1, %mul3A_14 : i32
    %add3A_16 = arith.addi %mul3A_13, %mul3A_15 : i32
    "tpu.region"() ({
      %run_scoped3A = tpu.sem_alloc : memref<!tpu.dma_semaphore, #tpu.memory_space<semaphore_mem>>
      %dma_start3A = arith.constant 0 : i32
      %dma_start3A_17 = tpu.memref_slice %arg6[%add3A_16, %dma_start3A] : memref<20224x128xf32, #tpu.memory_space<hbm>> -> memref<632x128xf32, #tpu.memory_space<hbm>>
      %dma_start3A_18 = arith.constant 0 : i32
      %dma_start3A_19 = tpu.memref_slice %arg11[%mul3A_11, %dma_start3A_18] : memref<10112x128xf32, #tpu.memory_space<vmem_shared>> -> memref<632x128xf32, #tpu.memory_space<vmem_shared>>
      tpu.enqueue_dma source(%dma_start3A_19 : memref<632x128xf32, #tpu.memory_space<vmem_shared>>) target(%dma_start3A_17 : memref<632x128xf32, #tpu.memory_space<hbm>>) target_semaphore(%run_scoped3A : memref<!tpu.dma_semaphore, #tpu.memory_space<semaphore_mem>>)
      %dma_wait3A = arith.constant 0 : i32
      %dma_wait3A_20 = tpu.memref_slice %arg6[%add3A_16, %dma_wait3A] : memref<20224x128xf32, #tpu.memory_space<hbm>> -> memref<632x128xf32, #tpu.memory_space<hbm>>
      %dma_wait3A_21 = arith.constant 0 : i32
      %dma_wait3A_22 = tpu.memref_slice %arg11[%mul3A_11, %dma_wait3A_21] : memref<10112x128xf32, #tpu.memory_space<vmem_shared>> -> memref<632x128xf32, #tpu.memory_space<vmem_shared>>
      tpu.wait_dma2 semaphore(%run_scoped3A : memref<!tpu.dma_semaphore, #tpu.memory_space<semaphore_mem>>) src(%dma_wait3A_22 : memref<632x128xf32, #tpu.memory_space<vmem_shared>>) dst(%dma_wait3A_20 : memref<632x128xf32, #tpu.memory_space<hbm>>)
      tpu.yield
    }) : () -> ()
    return
  }
}

module attributes {stable_mosaic.version = 14 : i64} {
  func.func @body(%arg0: i32, %arg1: memref<1000x128xf32, #tpu.memory_space<vmem>>, %arg2: memref<128x128xf32, #tpu.memory_space<vmem>>, %arg3: memref<1000x128xf32, #tpu.memory_space<vmem>>) attributes {dimension_semantics = [#tpu.dimension_semantics<arbitrary>], iteration_bounds = array<i64: 10>, scalar_prefetch = 0 : i64, scratch_operands = 0 : i64, tpu.core_type = #tpu.core_type<tc>, window_params = [{transform_indices = @transform_0, window_bounds = array<i64: 1000, 128>}, {pipeline_mode = #tpu.pipeline_mode<synchronous>, transform_indices = @transform_1, window_bounds = array<i64: 128, 128>}, {transform_indices = @transform_2, window_bounds = array<i64: 1000, 128>}]} {
    %get3A = arith.constant 0 : index
    %get3A_0 = arith.constant 0 : index
    %get3A_1 = vector.load %arg1[%get3A, %get3A_0] : memref<1000x128xf32, #tpu.memory_space<vmem>>, vector<1000x128xf32>
    %get3A_2 = arith.constant 0 : index
    %get3A_3 = arith.constant 0 : index
    %get3A_4 = vector.load %arg2[%get3A_2, %get3A_3] : memref<128x128xf32, #tpu.memory_space<vmem>>, vector<128x128xf32>
    %dot_general3A = arith.constant dense<0.000000e+00> : vector<1000x128xf32>
    %dot_general3A_5 = tpu.matmul %get3A_1, %get3A_4, %dot_general3A {dimension_numbers = #tpu.dot_dimension_numbers<[1], [0], [0], [1], [0, 0, 1, 1], [], []>, transpose_lhs_hint = false} : vector<1000x128xf32>, vector<128x128xf32>, vector<1000x128xf32> -> vector<1000x128xf32>
    %swap3A = arith.constant 0 : index
    %swap3A_6 = arith.constant 0 : index
    %swap3A_7 = vector.load %arg3[%swap3A, %swap3A_6] : memref<1000x128xf32, #tpu.memory_space<vmem>>, vector<1000x128xf32>
    tpu.vector_store %arg3[%swap3A, %swap3A_6], %dot_general3A_5 {strides = array<i32>} : memref<1000x128xf32, #tpu.memory_space<vmem>>, vector<1000x128xf32>,
    return
  }
  func.func @transform_0(%arg0: i32) -> (i32, i32) {
    %c0_i32 = arith.constant 0 : i32
    %c0_i32_0 = arith.constant 0 : i32
    return %arg0, %c0_i32 : i32, i32
  }
  func.func @transform_1(%arg0: i32) -> (i32, i32) {
    %c0_i32 = arith.constant 0 : i32
    %c0_i32_0 = arith.constant 0 : i32
    %c0_i32_1 = arith.constant 0 : i32
    return %c0_i32, %c0_i32_0 : i32, i32
  }
  func.func @transform_2(%arg0: i32) -> (i32, i32) {
    %c0_i32 = arith.constant 0 : i32
    %c0_i32_0 = arith.constant 0 : i32
    return %arg0, %c0_i32 : i32, i32
  }
}

module attributes {stable_mosaic.version = 14 : i64} {
  func.func @body(%arg0: i32, %arg1: memref<2x1000x128xf32, #tpu.memory_space<vmem>>, %arg2: memref<1000x128xf32, #tpu.memory_space<vmem>>, %arg3: memref<1000x128xf32, #tpu.memory_space<vmem>>, %arg4: memref<1000x128xf32, #tpu.memory_space<vmem>>) attributes {dimension_semantics = [#tpu.dimension_semantics<arbitrary>], iteration_bounds = array<i64: 10>, scalar_prefetch = 0 : i64, scratch_operands = 0 : i64, tpu.core_type = #tpu.core_type<tc>, window_params = [{transform_indices = @transform_0, window_bounds = array<i64: 2, 1000, 128>}, {transform_indices = @transform_1, window_bounds = array<i64: 1000, 128>}, {transform_indices = @transform_2, window_bounds = array<i64: 1000, 128>}, {transform_indices = @transform_3, window_bounds = array<i64: 1000, 128>}]} {
    %get3A = arith.constant 0 : index
    %get3A_0 = arith.constant 0 : index
    %get3A_1 = arith.constant 0 : index
    %get3A_2 = vector.load %arg1[%get3A, %get3A_0, %get3A_1] : memref<2x1000x128xf32, #tpu.memory_space<vmem>>, vector<1x1000x1xf32>
    %get3A_3 = vector.shape_cast %get3A_2 : vector<1x1000x1xf32> to vector<1000x1xf32>
    %get3A_4 = arith.constant 1 : index
    %get3A_5 = arith.constant 0 : index
    %get3A_6 = arith.constant 0 : index
    %get3A_7 = vector.load %arg1[%get3A_4, %get3A_5, %get3A_6] : memref<2x1000x128xf32, #tpu.memory_space<vmem>>, vector<1x1000x1xf32>
    %get3A_8 = vector.shape_cast %get3A_7 : vector<1x1000x1xf32> to vector<1000x1xf32>
    %add3A = arith.addf %get3A_3, %get3A_8 : vector<1000x1xf32>
    %add3A_9 = arith.constant 1.000000e+00 : f32
    %add3A_10 = vector.broadcast %add3A_9 : f32 to vector<1000x1xf32>
    %add3A_11 = arith.addf %add3A, %add3A_10 : vector<1000x1xf32>
    %rsqrt3A = math.rsqrt %add3A_11 : vector<1000x1xf32>
    %broadcast_in_dim3A = vector.shape_cast %rsqrt3A : vector<1000x1xf32> to vector<1000x1xf32>
    %broadcast_in_dim3A_12 = vector.broadcast %broadcast_in_dim3A : vector<1000x1xf32> to vector<1000x128xf32>
    %get3A_13 = arith.constant 0 : index
    %get3A_14 = arith.constant 0 : index
    %get3A_15 = vector.load %arg2[%get3A_13, %get3A_14] : memref<1000x128xf32, #tpu.memory_space<vmem>>, vector<1000x128xf32>
    %mul3A = arith.mulf %get3A_15, %broadcast_in_dim3A_12 : vector<1000x128xf32>
    %swap3A = arith.constant 0 : index
    %swap3A_16 = arith.constant 0 : index
    %swap3A_17 = vector.load %arg3[%swap3A, %swap3A_16] : memref<1000x128xf32, #tpu.memory_space<vmem>>, vector<1000x128xf32>
    tpu.vector_store %arg3[%swap3A, %swap3A_16], %mul3A {strides = array<i32>} : memref<1000x128xf32, #tpu.memory_space<vmem>>, vector<1000x128xf32>,
    %swap3A_18 = arith.constant 0 : index
    %swap3A_19 = arith.constant 0 : index
    %swap3A_20 = vector.load %arg4[%swap3A_18, %swap3A_19] : memref<1000x128xf32, #tpu.memory_space<vmem>>, vector<1000x128xf32>
    tpu.vector_store %arg4[%swap3A_18, %swap3A_19], %broadcast_in_dim3A_12 {strides = array<i32>} : memref<1000x128xf32, #tpu.memory_space<vmem>>, vector<1000x128xf32>,
    return
  }
  func.func @transform_0(%arg0: i32) -> (i32, i32, i32) {
    %c0_i32 = arith.constant 0 : i32
    %c0_i32_0 = arith.constant 0 : i32
    %c0_i32_1 = arith.constant 0 : i32
    return %c0_i32, %arg0, %c0_i32_0 : i32, i32, i32
  }
  func.func @transform_1(%arg0: i32) -> (i32, i32) {
    %c0_i32 = arith.constant 0 : i32
    %c0_i32_0 = arith.constant 0 : i32
    return %arg0, %c0_i32 : i32, i32
  }
  func.func @transform_2(%arg0: i32) -> (i32, i32) {
    %c0_i32 = arith.constant 0 : i32
    %c0_i32_0 = arith.constant 0 : i32
    return %arg0, %c0_i32 : i32, i32
  }
  func.func @transform_3(%arg0: i32) -> (i32, i32) {
    %c0_i32 = arith.constant 0 : i32
    %c0_i32_0 = arith.constant 0 : i32
    return %arg0, %c0_i32 : i32, i32
  }
}

module attributes {stable_mosaic.version = 14 : i64} {
  func.func @body(%arg0: i32, %arg1: memref<2x1000x128xf32, #tpu.memory_space<vmem>>, %arg2: memref<1000x128xf32, #tpu.memory_space<vmem>>, %arg3: memref<1000x128xf32, #tpu.memory_space<vmem>>, %arg4: memref<1x128xf32, #tpu.memory_space<vmem>>, %arg5: memref<128x128xf32, #tpu.memory_space<vmem>>, %arg6: memref<1000x128xf32, #tpu.memory_space<vmem>>) attributes {dimension_semantics = [#tpu.dimension_semantics<arbitrary>], iteration_bounds = array<i64: 10>, scalar_prefetch = 0 : i64, scratch_operands = 0 : i64, tpu.core_type = #tpu.core_type<tc>, window_params = [{transform_indices = @transform_0, window_bounds = array<i64: 2, 1000, 128>}, {transform_indices = @transform_1, window_bounds = array<i64: 1000, 128>}, {transform_indices = @transform_2, window_bounds = array<i64: 1000, 128>}, {pipeline_mode = #tpu.pipeline_mode<synchronous>, transform_indices = @transform_3, window_bounds = array<i64: 1, 128>}, {pipeline_mode = #tpu.pipeline_mode<synchronous>, transform_indices = @transform_4, window_bounds = array<i64: 128, 128>}, {transform_indices = @transform_5, window_bounds = array<i64: 1000, 128>}]} {
    %get3A = arith.constant 0 : index
    %get3A_0 = arith.constant 0 : index
    %get3A_1 = arith.constant 0 : index
    %get3A_2 = vector.load %arg1[%get3A, %get3A_0, %get3A_1] : memref<2x1000x128xf32, #tpu.memory_space<vmem>>, vector<1x1000x128xf32>
    %get3A_3 = vector.shape_cast %get3A_2 : vector<1x1000x128xf32> to vector<1000x128xf32>
    %get3A_4 = arith.constant 1 : index
    %get3A_5 = arith.constant 0 : index
    %get3A_6 = arith.constant 0 : index
    %get3A_7 = vector.load %arg1[%get3A_4, %get3A_5, %get3A_6] : memref<2x1000x128xf32, #tpu.memory_space<vmem>>, vector<1x1000x128xf32>
    %get3A_8 = vector.shape_cast %get3A_7 : vector<1x1000x128xf32> to vector<1000x128xf32>
    %add3A = arith.addf %get3A_3, %get3A_8 : vector<1000x128xf32>
    %get3A_9 = arith.constant 0 : index
    %get3A_10 = arith.constant 0 : index
    %get3A_11 = vector.load %arg2[%get3A_9, %get3A_10] : memref<1000x128xf32, #tpu.memory_space<vmem>>, vector<1000x128xf32>
    %add3A_12 = arith.addf %add3A, %get3A_11 : vector<1000x128xf32>
    %get3A_13 = arith.constant 0 : index
    %get3A_14 = arith.constant 0 : index
    %get3A_15 = vector.load %arg3[%get3A_13, %get3A_14] : memref<1000x128xf32, #tpu.memory_space<vmem>>, vector<1000x128xf32>
    %mul3A = arith.mulf %add3A_12, %get3A_15 : vector<1000x128xf32>
    %get3A_16 = arith.constant 0 : index
    %get3A_17 = arith.constant 0 : index
    %get3A_18 = vector.load %arg4[%get3A_16, %get3A_17] : memref<1x128xf32, #tpu.memory_space<vmem>>, vector<1x128xf32>
    %add3A_19 = vector.broadcast %get3A_18 : vector<1x128xf32> to vector<1000x128xf32>
    %add3A_20 = arith.addf %mul3A, %add3A_19 : vector<1000x128xf32>
    %max3A = arith.constant 0.000000e+00 : f32
    %max3A_21 = vector.broadcast %max3A : f32 to vector<1000x128xf32>
    %max3A_22 = arith.maximumf %add3A_20, %max3A_21 : vector<1000x128xf32>
    %get3A_23 = arith.constant 0 : index
    %get3A_24 = arith.constant 0 : index
    %get3A_25 = vector.load %arg5[%get3A_23, %get3A_24] : memref<128x128xf32, #tpu.memory_space<vmem>>, vector<128x128xf32>
    %dot_general3A = arith.constant dense<0.000000e+00> : vector<1000x128xf32>
    %dot_general3A_26 = tpu.matmul %max3A_22, %get3A_25, %dot_general3A {dimension_numbers = #tpu.dot_dimension_numbers<[1], [0], [0], [1], [0, 0, 1, 1], [], []>, transpose_lhs_hint = false} : vector<1000x128xf32>, vector<128x128xf32>, vector<1000x128xf32> -> vector<1000x128xf32>
    %get3A_27 = arith.constant 0 : index
    %get3A_28 = arith.constant 0 : index
    %get3A_29 = vector.load %arg3[%get3A_27, %get3A_28] : memref<1000x128xf32, #tpu.memory_space<vmem>>, vector<1000x128xf32>
    %mul3A_30 = arith.mulf %dot_general3A_26, %get3A_29 : vector<1000x128xf32>
    %swap3A = arith.constant 0 : index
    %swap3A_31 = arith.constant 0 : index
    %swap3A_32 = vector.load %arg6[%swap3A, %swap3A_31] : memref<1000x128xf32, #tpu.memory_space<vmem>>, vector<1000x128xf32>
    tpu.vector_store %arg6[%swap3A, %swap3A_31], %mul3A_30 {strides = array<i32>} : memref<1000x128xf32, #tpu.memory_space<vmem>>, vector<1000x128xf32>,
    return
  }
  func.func @transform_0(%arg0: i32) -> (i32, i32, i32) {
    %c0_i32 = arith.constant 0 : i32
    %c0_i32_0 = arith.constant 0 : i32
    %c0_i32_1 = arith.constant 0 : i32
    return %c0_i32, %arg0, %c0_i32_0 : i32, i32, i32
  }
  func.func @transform_1(%arg0: i32) -> (i32, i32) {
    %c0_i32 = arith.constant 0 : i32
    %c0_i32_0 = arith.constant 0 : i32
    return %arg0, %c0_i32 : i32, i32
  }
  func.func @transform_2(%arg0: i32) -> (i32, i32) {
    %c0_i32 = arith.constant 0 : i32
    %c0_i32_0 = arith.constant 0 : i32
    return %arg0, %c0_i32 : i32, i32
  }
  func.func @transform_3(%arg0: i32) -> (i32, i32) {
    %c0_i32 = arith.constant 0 : i32
    %c0_i32_0 = arith.constant 0 : i32
    %c0_i32_1 = arith.constant 0 : i32
    return %c0_i32, %c0_i32_0 : i32, i32
  }
  func.func @transform_4(%arg0: i32) -> (i32, i32) {
    %c0_i32 = arith.constant 0 : i32
    %c0_i32_0 = arith.constant 0 : i32
    %c0_i32_1 = arith.constant 0 : i32
    return %c0_i32, %c0_i32_0 : i32, i32
  }
  func.func @transform_5(%arg0: i32) -> (i32, i32) {
    %c0_i32 = arith.constant 0 : i32
    %c0_i32_0 = arith.constant 0 : i32
    return %arg0, %c0_i32 : i32, i32
  }
}

module attributes {stable_mosaic.version = 14 : i64} {
  func.func @body(%arg0: i32, %arg1: memref<2x1000x128xf32, #tpu.memory_space<vmem>>, %arg2: memref<1000x128xf32, #tpu.memory_space<vmem>>, %arg3: memref<1000x128xf32, #tpu.memory_space<vmem>>, %arg4: memref<1x128xf32, #tpu.memory_space<vmem>>, %arg5: memref<1x1x1000xi32, #tpu.memory_space<vmem>>, %arg6: memref<128x128xf32, #tpu.memory_space<vmem>>, %arg7: memref<1x128xf32, #tpu.memory_space<vmem>>, %arg8: memref<128x10xf32, #tpu.memory_space<vmem>>, %arg9: memref<1x10xf32, #tpu.memory_space<vmem>>, %arg10: memref<128x10xf32, #tpu.memory_space<vmem>>, %arg11: memref<128x128xf32, #tpu.memory_space<vmem>>) attributes {dimension_semantics = [#tpu.dimension_semantics<arbitrary>], iteration_bounds = array<i64: 10>, scalar_prefetch = 0 : i64, scratch_operands = 1 : i64, tpu.core_type = #tpu.core_type<tc>, window_params = [{transform_indices = @transform_0, window_bounds = array<i64: 2, 1000, 128>}, {transform_indices = @transform_1, window_bounds = array<i64: 1000, 128>}, {transform_indices = @transform_2, window_bounds = array<i64: 1000, 128>}, {pipeline_mode = #tpu.pipeline_mode<synchronous>, transform_indices = @transform_3, window_bounds = array<i64: 1, 128>}, {transform_indices = @transform_4, window_bounds = array<i64: 1, 1, 1000>}, {pipeline_mode = #tpu.pipeline_mode<synchronous>, transform_indices = @transform_5, window_bounds = array<i64: 128, 128>}, {pipeline_mode = #tpu.pipeline_mode<synchronous>, transform_indices = @transform_6, window_bounds = array<i64: 1, 128>}, {pipeline_mode = #tpu.pipeline_mode<synchronous>, transform_indices = @transform_7, window_bounds = array<i64: 128, 10>}, {pipeline_mode = #tpu.pipeline_mode<synchronous>, transform_indices = @transform_8, window_bounds = array<i64: 1, 10>}, {pipeline_mode = #tpu.pipeline_mode<synchronous>, transform_indices = @transform_9, window_bounds = array<i64: 128, 10>}]} {
    %get3A = arith.constant 0 : index
    %get3A_0 = arith.constant 0 : index
    %get3A_1 = arith.constant 0 : index
    %get3A_2 = vector.load %arg1[%get3A, %get3A_0, %get3A_1] : memref<2x1000x128xf32, #tpu.memory_space<vmem>>, vector<1x1000x128xf32>
    %get3A_3 = vector.shape_cast %get3A_2 : vector<1x1000x128xf32> to vector<1000x128xf32>
    %get3A_4 = arith.constant 1 : index
    %get3A_5 = arith.constant 0 : index
    %get3A_6 = arith.constant 0 : index
    %get3A_7 = vector.load %arg1[%get3A_4, %get3A_5, %get3A_6] : memref<2x1000x128xf32, #tpu.memory_space<vmem>>, vector<1x1000x128xf32>
    %get3A_8 = vector.shape_cast %get3A_7 : vector<1x1000x128xf32> to vector<1000x128xf32>
    %add3A = arith.addf %get3A_3, %get3A_8 : vector<1000x128xf32>
    %get3A_9 = arith.constant 0 : index
    %get3A_10 = arith.constant 0 : index
    %get3A_11 = vector.load %arg2[%get3A_9, %get3A_10] : memref<1000x128xf32, #tpu.memory_space<vmem>>, vector<1000x128xf32>
    %add3A_12 = arith.addf %add3A, %get3A_11 : vector<1000x128xf32>
    %get3A_13 = arith.constant 0 : index
    %get3A_14 = arith.constant 0 : index
    %get3A_15 = vector.load %arg3[%get3A_13, %get3A_14] : memref<1000x128xf32, #tpu.memory_space<vmem>>, vector<1000x128xf32>
    %mul3A = arith.mulf %add3A_12, %get3A_15 : vector<1000x128xf32>
    %get3A_16 = arith.constant 0 : index
    %get3A_17 = arith.constant 0 : index
    %get3A_18 = vector.load %arg4[%get3A_16, %get3A_17] : memref<1x128xf32, #tpu.memory_space<vmem>>, vector<1x128xf32>
    %add3A_19 = vector.broadcast %get3A_18 : vector<1x128xf32> to vector<1000x128xf32>
    %add3A_20 = arith.addf %mul3A, %add3A_19 : vector<1000x128xf32>
    %max3A = arith.constant 0.000000e+00 : f32
    %max3A_21 = vector.broadcast %max3A : f32 to vector<1000x128xf32>
    %max3A_22 = arith.maximumf %add3A_20, %max3A_21 : vector<1000x128xf32>
    %get3A_23 = arith.constant 0 : index
    %get3A_24 = arith.constant 0 : index
    %get3A_25 = arith.constant 0 : index
    %get3A_26 = vector.load %arg5[%get3A_23, %get3A_24, %get3A_25] : memref<1x1x1000xi32, #tpu.memory_space<vmem>>, vector<1x1x1000xi32>
    %get3A_27 = vector.shape_cast %get3A_26 : vector<1x1x1000xi32> to vector<1000xi32>
    %broadcast_in_dim3A = vector.shape_cast %get3A_27 : vector<1000xi32> to vector<1000x1xi32>
    %iota3A = tpu.iota {dimensions = array<i32: 1>} : vector<1000x128xi32>
    %eq3A = vector.broadcast %broadcast_in_dim3A : vector<1000x1xi32> to vector<1000x128xi32>
    %eq3A_28 = arith.cmpi eq, %eq3A, %iota3A : vector<1000x128xi32>
    %convert_element_type3A = arith.extui %eq3A_28 : vector<1000x128xi1> to vector<1000x128xi32>
    %convert_element_type3A_29 = arith.sitofp %convert_element_type3A : vector<1000x128xi32> to vector<1000x128xf32>
    %dot_general3A = arith.constant dense<0.000000e+00> : vector<128x128xf32>
    %dot_general3A_30 = tpu.matmul %convert_element_type3A_29, %max3A_22, %dot_general3A {dimension_numbers = #tpu.dot_dimension_numbers<[0], [0], [1], [1], [0, 1, 1, 1], [], []>, transpose_lhs_hint = false} : vector<1000x128xf32>, vector<1000x128xf32>, vector<128x128xf32> -> vector<128x128xf32>
    %eq3A_31 = arith.constant 0 : i32
    %eq3A_32 = arith.cmpi eq, %arg0, %eq3A_31 : i32
    %convert_element_type3A_33 = arith.extui %eq3A_32 : i1 to i32
    %cond3A = arith.constant 0 : i32
    %cond3A_34 = arith.cmpi ne, %convert_element_type3A_33, %cond3A : i32
    scf.if %cond3A_34 {
      %swap3A = arith.constant 0 : index
      %swap3A_44 = arith.constant 0 : index
      %swap3A_45 = vector.load %arg11[%swap3A, %swap3A_44] : memref<128x128xf32, #tpu.memory_space<vmem>>, vector<128x128xf32>
      tpu.vector_store %arg11[%swap3A, %swap3A_44], %dot_general3A_30 {strides = array<i32>} : memref<128x128xf32, #tpu.memory_space<vmem>>, vector<128x128xf32>,
    } else {
    }
    %gt3A = arith.constant 0 : i32
    %gt3A_35 = arith.cmpi sgt, %arg0, %gt3A : i32
    %convert_element_type3A_36 = arith.extui %gt3A_35 : i1 to i32
    %cond3A_37 = arith.constant 0 : i32
    %cond3A_38 = arith.cmpi ne, %convert_element_type3A_36, %cond3A_37 : i32
    scf.if %cond3A_38 {
      %get3A_44 = arith.constant 0 : index
      %get3A_45 = arith.constant 0 : index
      %get3A_46 = vector.load %arg11[%get3A_44, %get3A_45] : memref<128x128xf32, #tpu.memory_space<vmem>>, vector<128x128xf32>
      %add3A_47 = arith.addf %get3A_46, %dot_general3A_30 : vector<128x128xf32>
      %swap3A = arith.constant 0 : index
      %swap3A_48 = arith.constant 0 : index
      %swap3A_49 = vector.load %arg11[%swap3A, %swap3A_48] : memref<128x128xf32, #tpu.memory_space<vmem>>, vector<128x128xf32>
      tpu.vector_store %arg11[%swap3A, %swap3A_48], %add3A_47 {strides = array<i32>} : memref<128x128xf32, #tpu.memory_space<vmem>>, vector<128x128xf32>,
    } else {
    }
    %eq3A_39 = arith.constant 9 : i32
    %eq3A_40 = arith.cmpi eq, %arg0, %eq3A_39 : i32
    %convert_element_type3A_41 = arith.extui %eq3A_40 : i1 to i32
    %cond3A_42 = arith.constant 0 : i32
    %cond3A_43 = arith.cmpi ne, %convert_element_type3A_41, %cond3A_42 : i32
    scf.if %cond3A_43 {
      %get3A_44 = arith.constant 0 : index
      %get3A_45 = arith.constant 0 : index
      %get3A_46 = vector.load %arg11[%get3A_44, %get3A_45] : memref<128x128xf32, #tpu.memory_space<vmem>>, vector<128x128xf32>
      %get3A_47 = arith.constant 0 : index
      %get3A_48 = arith.constant 0 : index
      %get3A_49 = vector.load %arg6[%get3A_47, %get3A_48] : memref<128x128xf32, #tpu.memory_space<vmem>>, vector<128x128xf32>
      %dot_general3A_50 = arith.constant dense<0.000000e+00> : vector<128x128xf32>
      %dot_general3A_51 = tpu.matmul %get3A_46, %get3A_49, %dot_general3A_50 {dimension_numbers = #tpu.dot_dimension_numbers<[1], [0], [0], [1], [0, 0, 1, 1], [], []>, transpose_lhs_hint = false} : vector<128x128xf32>, vector<128x128xf32>, vector<128x128xf32> -> vector<128x128xf32>
      %get3A_52 = arith.constant 0 : index
      %get3A_53 = arith.constant 0 : index
      %get3A_54 = vector.load %arg7[%get3A_52, %get3A_53] : memref<1x128xf32, #tpu.memory_space<vmem>>, vector<1x128xf32>
      %add3A_55 = vector.broadcast %get3A_54 : vector<1x128xf32> to vector<128x128xf32>
      %add3A_56 = arith.addf %dot_general3A_51, %add3A_55 : vector<128x128xf32>
      %max3A_57 = arith.constant 0.000000e+00 : f32
      %max3A_58 = vector.broadcast %max3A_57 : f32 to vector<128x128xf32>
      %max3A_59 = arith.maximumf %add3A_56, %max3A_58 : vector<128x128xf32>
      %get3A_60 = arith.constant 0 : index
      %get3A_61 = arith.constant 0 : index
      %get3A_62 = vector.load %arg8[%get3A_60, %get3A_61] : memref<128x10xf32, #tpu.memory_space<vmem>>, vector<128x10xf32>
      %dot_general3A_63 = arith.constant dense<0.000000e+00> : vector<128x10xf32>
      %dot_general3A_64 = tpu.matmul %max3A_59, %get3A_62, %dot_general3A_63 {dimension_numbers = #tpu.dot_dimension_numbers<[1], [0], [0], [1], [0, 0, 1, 1], [], []>, transpose_lhs_hint = false} : vector<128x128xf32>, vector<128x10xf32>, vector<128x10xf32> -> vector<128x10xf32>
      %get3A_65 = arith.constant 0 : index
      %get3A_66 = arith.constant 0 : index
      %get3A_67 = vector.load %arg9[%get3A_65, %get3A_66] : memref<1x10xf32, #tpu.memory_space<vmem>>, vector<1x10xf32>
      %add3A_68 = vector.broadcast %get3A_67 : vector<1x10xf32> to vector<128x10xf32>
      %add3A_69 = arith.addf %dot_general3A_64, %add3A_68 : vector<128x10xf32>
      %reduce_max3A = arith.constant dense<0xFF800000> : vector<128xf32>
      %reduce_max3A_70 = vector.multi_reduction <maximumf>, %add3A_69, %reduce_max3A [1] : vector<128x10xf32> to vector<128xf32>
      %broadcast_in_dim3A_71 = vector.shape_cast %reduce_max3A_70 : vector<128xf32> to vector<128x1xf32>
      %sub3A = vector.broadcast %broadcast_in_dim3A_71 : vector<128x1xf32> to vector<128x10xf32>
      %sub3A_72 = arith.subf %add3A_69, %sub3A : vector<128x10xf32>
      %exp3A = math.exp %sub3A_72 : vector<128x10xf32>
      %reduce_sum3A = arith.constant dense<0.000000e+00> : vector<128xf32>
      %reduce_sum3A_73 = vector.multi_reduction <add>, %exp3A, %reduce_sum3A [1] : vector<128x10xf32> to vector<128xf32>
      %broadcast_in_dim3A_74 = vector.shape_cast %reduce_sum3A_73 : vector<128xf32> to vector<128x1xf32>
      %log3A = math.log %broadcast_in_dim3A_74 : vector<128x1xf32>
      %add3A_75 = arith.addf %broadcast_in_dim3A_71, %log3A : vector<128x1xf32>
      %sub3A_76 = vector.broadcast %add3A_75 : vector<128x1xf32> to vector<128x10xf32>
      %sub3A_77 = arith.subf %add3A_69, %sub3A_76 : vector<128x10xf32>
      %swap3A = arith.constant 0 : index
      %swap3A_78 = arith.constant 0 : index
      %swap3A_79 = vector.load %arg10[%swap3A, %swap3A_78] : memref<128x10xf32, #tpu.memory_space<vmem>>, vector<128x10xf32>
      tpu.vector_store %arg10[%swap3A, %swap3A_78], %sub3A_77 {strides = array<i32>} : memref<128x10xf32, #tpu.memory_space<vmem>>, vector<128x10xf32>,
    } else {
    }
    return
  }
  func.func @transform_0(%arg0: i32) -> (i32, i32, i32) {
    %c0_i32 = arith.constant 0 : i32
    %c0_i32_0 = arith.constant 0 : i32
    %c0_i32_1 = arith.constant 0 : i32
    return %c0_i32, %arg0, %c0_i32_0 : i32, i32, i32
  }
  func.func @transform_1(%arg0: i32) -> (i32, i32) {
    %c0_i32 = arith.constant 0 : i32
    %c0_i32_0 = arith.constant 0 : i32
    return %arg0, %c0_i32 : i32, i32
  }
  func.func @transform_2(%arg0: i32) -> (i32, i32) {
    %c0_i32 = arith.constant 0 : i32
    %c0_i32_0 = arith.constant 0 : i32
    return %arg0, %c0_i32 : i32, i32
  }
  func.func @transform_3(%arg0: i32) -> (i32, i32) {
    %c0_i32 = arith.constant 0 : i32
    %c0_i32_0 = arith.constant 0 : i32
    %c0_i32_1 = arith.constant 0 : i32
    return %c0_i32, %c0_i32_0 : i32, i32
  }
  func.func @transform_4(%arg0: i32) -> (i32, i32, i32) {
    %c0_i32 = arith.constant 0 : i32
    %c0_i32_0 = arith.constant 0 : i32
    %c0_i32_1 = arith.constant 0 : i32
    return %arg0, %c0_i32, %c0_i32_0 : i32, i32, i32
  }
  func.func @transform_5(%arg0: i32) -> (i32, i32) {
    %c0_i32 = arith.constant 0 : i32
    %c0_i32_0 = arith.constant 0 : i32
    %c0_i32_1 = arith.constant 0 : i32
    return %c0_i32, %c0_i32_0 : i32, i32
  }
  func.func @transform_6(%arg0: i32) -> (i32, i32) {
    %c0_i32 = arith.constant 0 : i32
    %c0_i32_0 = arith.constant 0 : i32
    %c0_i32_1 = arith.constant 0 : i32
    return %c0_i32, %c0_i32_0 : i32, i32
  }
  func.func @transform_7(%arg0: i32) -> (i32, i32) {
    %c0_i32 = arith.constant 0 : i32
    %c0_i32_0 = arith.constant 0 : i32
    %c0_i32_1 = arith.constant 0 : i32
    return %c0_i32, %c0_i32_0 : i32, i32
  }
  func.func @transform_8(%arg0: i32) -> (i32, i32) {
    %c0_i32 = arith.constant 0 : i32
    %c0_i32_0 = arith.constant 0 : i32
    %c0_i32_1 = arith.constant 0 : i32
    return %c0_i32, %c0_i32_0 : i32, i32
  }
  func.func @transform_9(%arg0: i32) -> (i32, i32) {
    %c0_i32 = arith.constant 0 : i32
    %c0_i32_0 = arith.constant 0 : i32
    %c0_i32_1 = arith.constant 0 : i32
    return %c0_i32, %c0_i32_0 : i32, i32
  }
}

</mosaic_0001>

<sc_bundles>
// kernel: kernel.12.cloned.1.call-start
scs
__scs_entry_jumppad:
0x0: {  	(pc) =	sbr.rel $0x88, $3  }
0x1: {  	(tag) =	ssettag $0x0;
	lr =	simm.s32 $0x1  }
0x2: {  	[smem:$0x3F96] =	sst lr;
	_ =	strace $0xD0000000  }
0x3: {  	_ = 	snop  }
0x4: {  	_ = 	snop  }
0x5: {  	_ = 	snop  }
0x6: {  	_ = 	snop  }
0x7: {  	_ = 	snop  }
__scs_overlays_trampoline_lowered:
0x8: {  	[smem:$0x3FA5] =	sst s0  }
0x9: {  	[smem:$0x3FA6] =	sst s1  }
0xa: {  	[smem:$0x3FA7] =	sst s2  }
0xb: {  	[smem:$0x3FA8] =	sst s3  }
0xc: {  	[smem:$0x3FA9] =	sst s4  }
0xd: {  	[smem:$0x3FAA] =	sst s5  }
0xe: {  	[smem:$0x3FAB] =	sst s6  }
0xf: {  	[smem:$0x3FAC] =	sst s7  }
0x10: {  	[smem:$0x3FAD] =	sst s8  }
0x11: {  	[smem:$0x3FAE] =	sst s9;
	s0 =	simm.s32 @!p0 $0x0  }
0x12: {  	s1 =	sld [smem:$0x3F94];
	s0 =	simm.s32 @p0 $0x1  }
0x13: {  	[smem:$0x3FAF] =	sst s0;
	s0 =	simm.s32 @!p1 $0x0  }
0x14: {  	s2 =	sld [smem:$0x3F93];
	s0 =	simm.s32 @p1 $0x1  }
0x15: {  	[smem:$0x3FB0] =	sst s0;
	s0 =	simm.s32 @!p2 $0x0  }
0x16: {  	s3 =	sld [smem:$0x3FDB];
	s0 =	simm.s32 @p2 $0x1  }
0x17: {  	s4 =	simm.s32 $0x1BF5;
	[smem:$0x3FB2] =	sst s0  }
0x18: {  	s0 =	sld [smem:$0x3F95];
	_ =	swait.ge [sflag:s4], $0x0  }
0x19: {  	s7 =	sld [smem:$0x3F96]  }
0x1a: {  	s8 =	sadd.s32 $0xFFFFE003, lr  }
0x1b: {  	s9 =	sadd.s32 $0xFFFFFEF7, lr;
	s5 =	simm.s32 $0xFFFFFFFF;
	p2 =	slt.u32 s8, $0xFFFFF086  }
0x1c: {  	p1 =	slt.u32 s9, $0xF7A;
	s5 =	simm.s32 @!p2 $0x0  }
0x1d: {  	s5 =	simm.s32 @p1 $0x1;
	p0 =	seq.s32 s7, s2  }
0x1e: {  	s7 =	smul.u32 @!p0 $0xF7A, s2;
	p2 =	seq.s32 @!p0 s5, $0x0  }
0x1f: {  	s9 =	smul.u32 $0xF7A, s1;
	s8 =	simm.s32 @!p0 $0x1BF5;
	p2 =	por !p2, p0  }
0x20: {  	[sflag:s8] =	ssyncset.s32 @!p0 $0xFFFFF086;
	s6 =	sadd.s32 @!p0 s3, s7;
	s7 =	simm.s32 @!p0 $0x108  }
0x21: {  	s3 =	sadd.s32 s3, s9;
	s6 =	sadd.s32 @!p0 $0x88, s6;
	s7 =	simm.s32 @p2 $0x1082  }
0x22: {  	[simem:s7], [sflag:s8] =	dma.local @!p0 [hbm:s6], $0xF7A  }
0x23: {  	s9 =	sor.u32 $0xD0000000, s2;
	s6 =	simm.s32 $0x108;
	_ =	swait.ge @!p0 [sflag:s8], $0x0  }
0x24: {  	s3 =	sadd.s32 $0x88, s3;
	s6 =	simm.s32 @!p1 $0x1082;
	[sflag:s4] =	ssyncset.s32 $0xFFFFF086  }
0x25: {  	[simem:s6], [sflag:s4] =	dma.local [hbm:s3], $0xF7A  }
0x26: {  	[smem:$0x3F96] =	sst s1;
	(tag) =	ssettag s2;
	_ =	strace s9  }
0x27: {  	s1 =	sld [smem:$0x3FA6]  }
0x28: {  	s2 =	sld [smem:$0x3FA7]  }
0x29: {  	s4 =	sld [smem:$0x3FA9]  }
0x2a: {  	p0 =	seq.s32 s5, $0x0;
	s5 =	sld [smem:$0x3FAA]  }
0x2b: {  	s6 =	sld [smem:$0x3FAB]  }
0x2c: {  	s7 =	sld [smem:$0x3FAC]  }
0x2d: {  	s3 =	simm.s32 $0x108;
	s8 =	sld [smem:$0x3FAD]  }
0x2e: {  	s3 =	simm.s32 @!p0 $0x1082;
	s9 =	sld [smem:$0x3FAE]  }
0x2f: {  	lr =	sadd.s32 s0, s3;
	s0 =	sld [smem:$0x3FA5]  }
0x30: {  	s3 =	sld [smem:$0x3FA8]  }
0x31: {  	[smem:$0x3FB1] =	sst s10  }
0x32: {  	s10 =	sld [smem:$0x3FAF];
	_ =	sdelay $0x3  }
0x33: {  	p0 =	seq.s32 s10, $0x1;
	s10 =	sld [smem:$0x3FB1];
	_ =	sdelay $0x3  }
0x34: {  	[smem:$0x3FB1] =	sst s10  }
0x35: {  	s10 =	sld [smem:$0x3FB0];
	_ =	sdelay $0x3  }
0x36: {  	p1 =	seq.s32 s10, $0x1;
	s10 =	sld [smem:$0x3FB1];
	_ =	sdelay $0x3  }
0x37: {  	[smem:$0x3FB1] =	sst s10  }
0x38: {  	s10 =	sld [smem:$0x3FB2]  }
0x39: {  	_ = 	snop;
	(pc) =	sbr.ind lr, $3  }
0x3a: {  	_ = 	snop  }
0x3b: {  	_ = 	snop  }
0x3c: {  	p2 =	seq.s32 s10, $0x1;
	s10 =	sld [smem:$0x3FB1]  }
0x3d: {  	_ =	shalt  }
0x3e: {  	_ =	shalt  }
0x3f: {  	_ =	shalt  }
0x40: {  	_ =	shalt  }
0x41: {  	_ =	shalt  }
0x42: {  	_ =	shalt  }
0x43: {  	_ =	shalt  }
0x44: {  	_ =	shalt  }
0x45: {  	_ =	shalt  }
0x46: {  	_ =	shalt  }
0x47: {  	_ =	shalt  }
0x48: {  	_ =	shalt  }
0x49: {  	_ =	shalt  }
0x4a: {  	_ =	shalt  }
0x4b: {  	_ =	shalt  }
0x4c: {  	_ =	shalt  }
0x4d: {  	_ =	shalt  }
0x4e: {  	_ =	shalt  }
0x4f: {  	_ =	shalt  }
0x50: {  	_ =	shalt  }
0x51: {  	_ =	shalt  }
0x52: {  	_ =	shalt  }
0x53: {  	_ =	shalt  }
0x54: {  	_ =	shalt  }
0x55: {  	_ =	shalt  }
0x56: {  	_ =	shalt  }
0x57: {  	_ =	shalt  }
0x58: {  	_ =	shalt  }
0x59: {  	_ =	shalt  }
0x5a: {  	_ =	shalt  }
0x5b: {  	_ =	shalt  }
0x5c: {  	_ =	shalt  }
0x5d: {  	_ =	shalt  }
0x5e: {  	_ =	shalt  }
0x5f: {  	_ =	shalt  }
0x60: {  	_ =	shalt  }
0x61: {  	_ =	shalt  }
0x62: {  	_ =	shalt  }
0x63: {  	_ =	shalt  }
0x64: {  	_ =	shalt  }
0x65: {  	_ =	shalt  }
0x66: {  	_ =	shalt  }
0x67: {  	_ =	shalt  }
0x68: {  	_ =	shalt  }
0x69: {  	_ =	shalt  }
0x6a: {  	_ =	shalt  }
0x6b: {  	_ =	shalt  }
0x6c: {  	_ =	shalt  }
0x6d: {  	_ =	shalt  }
0x6e: {  	_ =	shalt  }
0x6f: {  	_ =	shalt  }
0x70: {  	_ =	shalt  }
0x71: {  	_ =	shalt  }
0x72: {  	_ =	shalt  }
0x73: {  	_ =	shalt  }
0x74: {  	_ =	shalt  }
0x75: {  	_ =	shalt  }
0x76: {  	_ =	shalt  }
0x77: {  	_ =	shalt  }
0x78: {  	_ =	shalt  }
0x79: {  	_ =	shalt  }
0x7a: {  	_ =	shalt  }
0x7b: {  	_ =	shalt  }
0x7c: {  	_ =	shalt  }
0x7d: {  	_ =	shalt  }
0x7e: {  	_ =	shalt  }
0x7f: {  	_ =	shalt  }
0x80: {  	_ =	shalt  }
0x81: {  	_ =	shalt  }
0x82: {  	_ =	shalt  }
0x83: {  	_ =	shalt  }
0x84: {  	_ =	shalt  }
0x85: {  	_ =	shalt  }
0x86: {  	_ =	shalt  }
0x87: {  	_ =	shalt  }
.Lfunc_end0:
.L_simem_size_0:
called_computation.1_lowered:
.L_overlay_start_0:
0x88: {  	s2 =	sld [smem:$0x3FD9]  }
0x89: {  	s3 =	sld [smem:$0x3FFE];
	_ =	sdelay $0x1  }
0x8a: {  	s1 =	srdreg.scid  }
0x8b: {  	s0 =	sand.u32 $0x1, s1  }
0x8c: {  	s16 =	sshll.u32 s0, $0xA;
	s2 =	sadd.s32 s3, s2  }
0x8d: {  	s2 =	sadd.s32 s2, s16  }
0x8e: {  	[smem:$0x3FBD] =	sst s2  }
0x8f: {  	_ = 	snop  }
0x90: {  	(tm) =	ssettm $0x1  }
0x91: {  	s17 =	sld [smem:$0x3FFB];
	_ =	sdelay $0x3  }
0x92: {  	_ =	strace s17  }
0x93: {  	s2 =	sld [smem:$0x3FFC];
	_ =	sdelay $0x3  }
0x94: {  	_ =	strace s2  }
0x95: {  	s2 =	sld [smem:$0x3FFD];
	_ =	sdelay $0x3  }
0x96: {  	_ =	strace s2  }
0x97: {  	_ =	strace $0x8FFFFFFF  }
0x98: {  	s18 =	sld [smem:$0x3FDB];
	_ =	sdelay $0x1  }
0x99: {  	s19 =	simm.s32 $_scs_section_size  }
0x9a: {  	s4 =	simm.s32 $_size__tile_overlayer_lowered;
	s5 =	simm.s32 $_tile_overlayer_lowered  }
0x9b: {  	s22 =	simm.s32 $0x1BFF;
	s21 =	sshll.u32 s5, $0x1;
	s2 =	sadd.s32 s19, s18  }
0x9c: {  	s6 =	simm.s32 $0x0;
	s20 =	sshll.u32 s4, $0x1;
	s4 =	sadd.s32 s21, s2  }
0x9d: {  	[timem:s6], [sflag:s22] =	dma.local [hbm:s4], s20  }
0x9e: {  	_ =	swait.ge [sflag:s22], s20  }
0x9f: {  	s3 =	ssub.s32 $0x0, s20;
	[sflag:s22] =	ssyncset.done $0x0  }
0xa0: {  	[sflag:s22] =	ssyncadd.s32 s3;
	_ =	sdelay $0x1  }
0xa1: {  	s23 =	simm.s32 $0x1B8B  }
0xa2: {  	_ =	swait.ge [sflag:s23], $0x1  }
0xa3: {  	[sflag:s23] =	ssyncset.done $0x0  }
0xa4: {  	s25 =	simm.s32 $0x1B8E;
	s24 =	sld [smem:$0x3FFE];
	[sflag:s23] =	ssyncadd.s32 $0xFFFFFFFF  }
0xa5: {  	s26 =	simm.s32 $execute0_lowered;
	[smem:$0x3FD2] =	sst s25  }
0xa6: {  	s4 =	sshll.u32 s26, $0x1;
	_ =	strace $0x80000049;
	[dreg:$0x1] =	wrdreg $0xFFFFFFFF  }
0xa7: {  	s28 =	simm.s32 $_size_execute0_lowered;
	s2 =	sadd.s32 s2, s4;
	[dreg:$0x0] =	wrdreg $0x0  }
0xa8: {  	s4 =	sshll.u32 s28, $0x1;
	[dreg:$0x2] =	wrdreg s2  }
0xa9: {  	[dreg:$0x3] =	wrdreg s4  }
0xaa: {  	[dreg:$0x4] =	wrdreg $0xC0  }
0xab: {  	_ =	task [dreg:s6], $0x5FFFF  }
0xac: {  	[dreg:$0x1] =	wrdreg $0xFFFFFFFF  }
0xad: {  	[dreg:$0x0] =	wrdreg $0x60  }
0xae: {  	[dreg:$0x2] =	wrdreg s24  }
0xaf: {  	[dreg:$0x3] =	wrdreg $0xA8000  }
0xb0: {  	[dreg:$0x4] =	wrdreg $0x9  }
0xb1: {  	_ =	task.clear_ibuf [dreg:s6], $0x5FFFF;
	_ =	strace $0x90000049  }
0xb2: {  	s29 =	simm.s32 $0x9;
	_ =	strace $0x8000004B  }
0xb3: {  	_ =	swait.ge [sflag:s29], $0x1  }
0xb4: {  	[sflag:s29] =	ssyncadd.s32 $0xFFFFFFFF  }
0xb5: {  	_ =	strace $0x9000004B  }
0xb6: {  	_ =	sfence  }
0xb7: {  	s30 =	sld [smem:$0x0];
	_ =	sdelay $0x2  }
0xb8: {  	s31 =	sshll.u32 s1, $0xD;
	s1 =	sshrl.u32 s1, $0x2  }
0xb9: {  	s3 =	sand.u32 $0x4000, s31;
	s1 =	sadd.s32 s1, s30  }
0xba: {  	s0 =	sor.u32 s3, s0;
	s1 =	sshll.u32 s1, $0x11  }
0xbb: {  	s0 =	sor.u32 s1, s0  }
0xbc: {  	s0 =	sadd.s32 $0x8F2B, s0  }
0xbd: {  	[sflag:s0] =	ssyncadd.remote.s32 $0x1  }
0xbe: {  	_ =	sfence.sel $0xFFFF  }
0xbf: {  	[dreg:$0x0] =	wrdreg $0xFFFFFFFF;
	(pc) =	sbr.abs _section_cstart, $3  }
0xc0: {  	[dreg:$0x1] =	wrdreg $0xFFFFFFFF  }
0xc1: {  	_ =	task.clear_ibuf [dreg:s6], $0x2FFFF;
	_ =	strace $0x9FFFFFFF  }
0xc2: {  	(tm) =	ssettm $0x7FFFFFFF  }
0xc3: {  	_ =	shalt  }
tec
execute0_lowered:
.L_overlay_start_1:
0x0: {  	(tag) =	ssettag $0x1  }
0x1: {  	s5 =	rddreg [dreg:$0x0]  }
0x2: {  	s2 =	rddreg [dreg:$0x1]  }
0x3: {  	s0 =	rddreg [dreg:$0x2]  }
0x4: {  	s3 =	simm.s32 $0x0;
	s1 =	stileid.u32;
	s4 =	srdreg.scid  }
0x5: {  	s15 =	simm.s32 $0x1400;
	s16 =	simm.s32 $0x80;
	s17 =	simm.s32 $0x2800  }
0x6: {  	s18 =	simm.s32 $0x1;
	s19 =	simm.s32 $0x6800;
	s20 =	simm.s32 $0x2  }
0x7: {  	s21 =	simm.s32 $0x1380;
	s22 =	simm.s32 $0x2700;
	[smem:$0x7FF] =	sst s3  }
0x8: {  	s6 =	smul.u32 $0x2780, s1;
	s7 =	sand.u32 $0x1, s4;
	s4 =	sadd.s32 $0x3DC00, s5  }
0x9: {  	s11 =	sadd.s32 $0x2400, s5;
	s12 =	sadd.s32 $0xC400, s5;
	s10 =	smul.u32 $0x4F000, s1  }
0xa: {  	s29 =	sshll.u32 s1, $0x6;
	_ =	strace $0x8000004A;
	s8 =	smul.u32 $0x27800, s7  }
0xb: {  	s23 =	ssub.s32 $0x2, s7;
	s25 =	sshll.u32 s7, $0x4;
	s9 =	sadd.s32 s6, s5  }
0xc: {  	s24 =	sshrl.u32 s23, $0x1;
	s26 =	sor.u32 s1, s25;
	s28 =	sshrl.u32 s10, $0x2  }
0xd: {  	s6 =	sadd.s32 s6, s8;
	s8 =	ssub.s32 s23, s24;
	s14 =	sadd.s32 s28, s2  }
0xe: {  	s30 =	smul.u32 $0x500, s26;
	s23 =	simm.s32 $0x2780;
	s24 =	simm.s32 $0x0  }
0xf: {  	s13 =	sadd.s32 s6, s5;
	s5 =	sadd.s32 $0x16400, s9;
	s6 =	sor.u32 $0x1C03, s29  }
0x10: {  	s8 =	smax.u32 s8, $0x1;
	s7 =	sadd.s32 $0x65400, s13;
	s9 =	sadd.s32 s11, s30  }
0x11: {  	s31 =	sadd.s32 $0x280, s30;
	s10 =	sadd.s32 s12, s30;
	s13 =	sshrl.u32 s14, $0x3  }
0x12: {  	s14 =	simm.s32 $0x3;
	s11 =	sadd.s32 s11, s31;
	s12 =	sadd.s32 s12, s31  }
.LBB2_1:
0x13: {  	[spmem:s13], [sflag:s6] =	dma.local [hbm:s5], $0x2780  }
0x14: {  	_ =	swait.ge [sflag:s14], $0x2780  }
0x15: {  	[sflag:s14] =	ssyncset.done $0x0  }
0x16: {  	[sflag:s14] =	ssyncadd.s32 $0xFFFFD880  }
0x17: {  	[bflag:$0x0] =	sbarrier.arrive $0xFFFF  }
0x18: {  	[tilespmem:s3], [sflag:$0x3] =	stream.linear.gather [hbm4b:s9+s3], $0x1400, $0x38;
	[tilespmem:$0x1E400] =	vst v63  }
0x19: {  	_ =	swait.ge [sflag:s14], $0x1400  }
0x1a: {  	[sflag:s14] =	ssyncset.done $0x0  }
0x1b: {  	[sflag:s14] =	ssyncadd.s32 $0xFFFFEC00  }
0x1c: {  	[tilespmem:s15], [sflag:$0x3] =	stream.linear.gather [hbm4b:s10+s3], $0x1400, $0x38;
	[tilespmem:$0x1E400] =	vst v63  }
0x1d: {  	_ =	swait.ge [sflag:s14], $0x1400  }
0x1e: {  	[sflag:s14] =	ssyncset.done $0x0  }
0x1f: {  	[sflag:s14] =	ssyncadd.s32 $0xFFFFEC00  }
0x20: {  	[tilespmem:s17], [sflag:$0x1] =	stream.indirect.gather [hbm4b:s4+s16], $0x80, s3, s16, $0xb8;
	[tilespmem:$0x1E400] =	vst v63  }
0x21: {  	_ =	swait.ge [sflag:s18], $0x4000  }
0x22: {  	[sflag:s18] =	ssyncset.done $0x0  }
0x23: {  	s25 =	simm.s32 $0x80;
	[sflag:s18] =	ssyncadd.s32 $0xFFFFC000  }
0x24: {  	[tilespmem:s19], [sflag:$0x2] =	stream.indirect.gather [hbm4b:s4+s16], $0x80, s25, s16, $0xb8;
	[tilespmem:$0x1E400] =	vst v63  }
0x25: {  	s29 =	simm.s32 $0x1400  }
0x26: {  	[spmem:s2] =	stream.indirect.scatter.add.f32 [tilespmem:s17], [sflag:$0x3], $0x80, s29, s16, $0xb8;
	[tilespmem:$0x1E400] =	vst v63  }
0x27: {  	_ =	swait.ge [sflag:s14], $0x4000  }
0x28: {  	[sflag:s14] =	ssyncset.done $0x0  }
0x29: {  	[sflag:s14] =	ssyncadd.s32 $0xFFFFC000  }
0x2a: {  	_ =	swait.ge [sflag:s20], $0x4000  }
0x2b: {  	[sflag:s20] =	ssyncset.done $0x0  }
0x2c: {  	s30 =	simm.s32 $0x100;
	[sflag:s20] =	ssyncadd.s32 $0xFFFFC000  }
0x2d: {  	[tilespmem:s17], [sflag:$0x1] =	stream.indirect.gather [hbm4b:s4+s16], $0x80, s30, s16, $0xb8;
	[tilespmem:$0x1E400] =	vst v63  }
0x2e: {  	s31 =	simm.s32 $0x1480  }
0x2f: {  	[spmem:s2] =	stream.indirect.scatter.add.f32 [tilespmem:s19], [sflag:$0x3], $0x80, s31, s16, $0xb8;
	[tilespmem:$0x1E400] =	vst v63  }
0x30: {  	_ =	swait.ge [sflag:s14], $0x4000  }
0x31: {  	s25 =	simm.s32 $0x400;
	[sflag:s14] =	ssyncset.done $0x0  }
.LBB2_2:
0x32: {  	p0 =	sne.s32 s25, $0x4800  }
0x33: {  	[sflag:s14] =	ssyncadd.s32 $0xFFFFC000;
	s26 =	smov.u32 s25;
	s25 =	sadd.s32 $0x400, s25  }
0x34: {  	_ = 	snop  }
0x35: {  	_ =	swait.ge [sflag:s18], $0x4000  }
0x36: {  	s26 =	sshra.s32 s26, $0x2;
	[sflag:s18] =	ssyncset.done $0x0  }
0x37: {  	s28 =	sadd.s32 $0x80, s26;
	[sflag:s18] =	ssyncadd.s32 $0xFFFFC000  }
0x38: {  	[tilespmem:s19], [sflag:$0x2] =	stream.indirect.gather [hbm4b:s4+s16], $0x80, s28, s16, $0xb8;
	[tilespmem:$0x1E400] =	vst v63  }
0x39: {  	s28 =	sadd.s32 $0x1400, s26  }
0x3a: {  	[spmem:s2] =	stream.indirect.scatter.add.f32 [tilespmem:s17], [sflag:$0x3], $0x80, s28, s16, $0xb8;
	[tilespmem:$0x1E400] =	vst v63  }
0x3b: {  	_ =	swait.ge [sflag:s14], $0x4000  }
0x3c: {  	[sflag:s14] =	ssyncset.done $0x0  }
0x3d: {  	[sflag:s14] =	ssyncadd.s32 $0xFFFFC000  }
0x3e: {  	_ =	swait.ge [sflag:s20], $0x4000  }
0x3f: {  	[sflag:s20] =	ssyncset.done $0x0  }
0x40: {  	s28 =	sadd.s32 $0x100, s26;
	[sflag:s20] =	ssyncadd.s32 $0xFFFFC000  }
0x41: {  	[tilespmem:s17], [sflag:$0x1] =	stream.indirect.gather [hbm4b:s4+s16], $0x80, s28, s16, $0xb8;
	[tilespmem:$0x1E400] =	vst v63  }
.Ltmp0:
0x42: {  	_ = 	snop;
	(pc) =	sbr.rel @p0 .LBB2_2-.Ltmp0, $4  }
0x43: {  	s26 =	sadd.s32 $0x1480, s26  }
0x44: {  	[spmem:s2] =	stream.indirect.scatter.add.f32 [tilespmem:s19], [sflag:$0x3], $0x80, s26, s16, $0xb8;
	[tilespmem:$0x1E400] =	vst v63  }
0x45: {  	_ =	swait.ge [sflag:s14], $0x4000  }
0x46: {  	[sflag:s14] =	ssyncset.done $0x0  }
0x47: {  	[sflag:s14] =	ssyncadd.s32 $0xFFFFC000  }
0x48: {  	_ =	swait.ge [sflag:s18], $0x4000  }
0x49: {  	[sflag:s18] =	ssyncset.done $0x0  }
0x4a: {  	[sflag:s18] =	ssyncadd.s32 $0xFFFFC000  }
0x4b: {  	[tilespmem:s19], [sflag:$0x2] =	stream.indirect.gather [hbm4b:s4+s16], $0x80, s21, s16, $0xb8;
	[tilespmem:$0x1E400] =	vst v63  }
0x4c: {  	_ = 	snop  }
0x4d: {  	[spmem:s2] =	stream.indirect.scatter.add.f32 [tilespmem:s17], [sflag:$0x3], $0x80, s22, s16, $0xb8;
	[tilespmem:$0x1E400] =	vst v63  }
0x4e: {  	_ =	swait.ge [sflag:s14], $0x4000  }
0x4f: {  	[sflag:s14] =	ssyncset.done $0x0  }
0x50: {  	[sflag:s14] =	ssyncadd.s32 $0xFFFFC000  }
0x51: {  	_ =	swait.ge [sflag:s20], $0x4000  }
0x52: {  	[sflag:s20] =	ssyncset.done $0x0  }
0x53: {  	[sflag:s20] =	ssyncadd.s32 $0xFFFFC000  }
0x54: {  	[spmem:s2] =	stream.indirect.scatter.add.f32 [tilespmem:s19], [sflag:$0x3], $0x80, s23, s16, $0xb8;
	[tilespmem:$0x1E400] =	vst v63  }
0x55: {  	_ =	swait.ge [sflag:s14], $0x4000  }
0x56: {  	[sflag:s14] =	ssyncset.done $0x0  }
0x57: {  	s25 =	simm.s32 $0x0;
	[sflag:s14] =	ssyncadd.s32 $0xFFFFC000  }
0x58: {  	[tilespmem:s25], [sflag:$0x3] =	stream.linear.gather [hbm4b:s11+s25], $0x1400, $0x38;
	[tilespmem:$0x1E400] =	vst v63  }
0x59: {  	_ =	swait.ge [sflag:s14], $0x1400  }
0x5a: {  	[sflag:s14] =	ssyncset.done $0x0  }
0x5b: {  	[sflag:s14] =	ssyncadd.s32 $0xFFFFEC00  }
0x5c: {  	[tilespmem:s15], [sflag:$0x3] =	stream.linear.gather [hbm4b:s12+s25], $0x1400, $0x38;
	[tilespmem:$0x1E400] =	vst v63  }
0x5d: {  	_ =	swait.ge [sflag:s14], $0x1400  }
0x5e: {  	[sflag:s14] =	ssyncset.done $0x0  }
0x5f: {  	[sflag:s14] =	ssyncadd.s32 $0xFFFFEC00  }
0x60: {  	[tilespmem:s17], [sflag:$0x1] =	stream.indirect.gather [hbm4b:s4+s16], $0x80, s25, s16, $0xb8;
	[tilespmem:$0x1E400] =	vst v63  }
0x61: {  	_ =	swait.ge [sflag:s18], $0x4000  }
0x62: {  	[sflag:s18] =	ssyncset.done $0x0  }
0x63: {  	s28 =	simm.s32 $0x80;
	[sflag:s18] =	ssyncadd.s32 $0xFFFFC000  }
0x64: {  	[tilespmem:s19], [sflag:$0x2] =	stream.indirect.gather [hbm4b:s4+s16], $0x80, s28, s16, $0xb8;
	[tilespmem:$0x1E400] =	vst v63  }
0x65: {  	s29 =	simm.s32 $0x1400  }
0x66: {  	[spmem:s2] =	stream.indirect.scatter.add.f32 [tilespmem:s17], [sflag:$0x3], $0x80, s29, s16, $0xb8;
	[tilespmem:$0x1E400] =	vst v63  }
0x67: {  	_ =	swait.ge [sflag:s14], $0x4000  }
0x68: {  	[sflag:s14] =	ssyncset.done $0x0  }
0x69: {  	[sflag:s14] =	ssyncadd.s32 $0xFFFFC000  }
0x6a: {  	_ =	swait.ge [sflag:s20], $0x4000  }
0x6b: {  	[sflag:s20] =	ssyncset.done $0x0  }
0x6c: {  	s30 =	simm.s32 $0x100;
	[sflag:s20] =	ssyncadd.s32 $0xFFFFC000  }
0x6d: {  	[tilespmem:s17], [sflag:$0x1] =	stream.indirect.gather [hbm4b:s4+s16], $0x80, s30, s16, $0xb8;
	[tilespmem:$0x1E400] =	vst v63  }
0x6e: {  	s31 =	simm.s32 $0x1480  }
0x6f: {  	[spmem:s2] =	stream.indirect.scatter.add.f32 [tilespmem:s19], [sflag:$0x3], $0x80, s31, s16, $0xb8;
	[tilespmem:$0x1E400] =	vst v63  }
0x70: {  	_ =	swait.ge [sflag:s14], $0x4000  }
0x71: {  	s25 =	simm.s32 $0x400;
	[sflag:s14] =	ssyncset.done $0x0  }
.LBB2_4:
0x72: {  	p0 =	sne.s32 s25, $0x4800  }
0x73: {  	[sflag:s14] =	ssyncadd.s32 $0xFFFFC000;
	s26 =	smov.u32 s25;
	s25 =	sadd.s32 $0x400, s25  }
0x74: {  	_ = 	snop  }
0x75: {  	_ =	swait.ge [sflag:s18], $0x4000  }
0x76: {  	s26 =	sshra.s32 s26, $0x2;
	[sflag:s18] =	ssyncset.done $0x0  }
0x77: {  	s28 =	sadd.s32 $0x80, s26;
	[sflag:s18] =	ssyncadd.s32 $0xFFFFC000  }
0x78: {  	[tilespmem:s19], [sflag:$0x2] =	stream.indirect.gather [hbm4b:s4+s16], $0x80, s28, s16, $0xb8;
	[tilespmem:$0x1E400] =	vst v63  }
0x79: {  	s28 =	sadd.s32 $0x1400, s26  }
0x7a: {  	[spmem:s2] =	stream.indirect.scatter.add.f32 [tilespmem:s17], [sflag:$0x3], $0x80, s28, s16, $0xb8;
	[tilespmem:$0x1E400] =	vst v63  }
0x7b: {  	_ =	swait.ge [sflag:s14], $0x4000  }
0x7c: {  	[sflag:s14] =	ssyncset.done $0x0  }
0x7d: {  	[sflag:s14] =	ssyncadd.s32 $0xFFFFC000  }
0x7e: {  	_ =	swait.ge [sflag:s20], $0x4000  }
0x7f: {  	[sflag:s20] =	ssyncset.done $0x0  }
0x80: {  	s28 =	sadd.s32 $0x100, s26;
	[sflag:s20] =	ssyncadd.s32 $0xFFFFC000  }
0x81: {  	[tilespmem:s17], [sflag:$0x1] =	stream.indirect.gather [hbm4b:s4+s16], $0x80, s28, s16, $0xb8;
	[tilespmem:$0x1E400] =	vst v63  }
.Ltmp1:
0x82: {  	_ = 	snop;
	(pc) =	sbr.rel @p0 .LBB2_4-.Ltmp1, $4  }
0x83: {  	s26 =	sadd.s32 $0x1480, s26  }
0x84: {  	[spmem:s2] =	stream.indirect.scatter.add.f32 [tilespmem:s19], [sflag:$0x3], $0x80, s26, s16, $0xb8;
	[tilespmem:$0x1E400] =	vst v63  }
0x85: {  	_ =	swait.ge [sflag:s14], $0x4000  }
0x86: {  	[sflag:s14] =	ssyncset.done $0x0  }
0x87: {  	[sflag:s14] =	ssyncadd.s32 $0xFFFFC000  }
0x88: {  	_ =	swait.ge [sflag:s18], $0x4000  }
0x89: {  	[sflag:s18] =	ssyncset.done $0x0  }
0x8a: {  	[sflag:s18] =	ssyncadd.s32 $0xFFFFC000  }
0x8b: {  	[tilespmem:s19], [sflag:$0x2] =	stream.indirect.gather [hbm4b:s4+s16], $0x80, s21, s16, $0xb8;
	[tilespmem:$0x1E400] =	vst v63  }
0x8c: {  	_ = 	snop  }
0x8d: {  	[spmem:s2] =	stream.indirect.scatter.add.f32 [tilespmem:s17], [sflag:$0x3], $0x80, s22, s16, $0xb8;
	[tilespmem:$0x1E400] =	vst v63  }
0x8e: {  	_ =	swait.ge [sflag:s14], $0x4000  }
0x8f: {  	[sflag:s14] =	ssyncset.done $0x0  }
0x90: {  	[sflag:s14] =	ssyncadd.s32 $0xFFFFC000  }
0x91: {  	_ =	swait.ge [sflag:s20], $0x4000  }
0x92: {  	[sflag:s20] =	ssyncset.done $0x0  }
0x93: {  	[sflag:s20] =	ssyncadd.s32 $0xFFFFC000  }
0x94: {  	[spmem:s2] =	stream.indirect.scatter.add.f32 [tilespmem:s19], [sflag:$0x3], $0x80, s23, s16, $0xb8;
	[tilespmem:$0x1E400] =	vst v63  }
0x95: {  	_ =	swait.ge [sflag:s14], $0x4000  }
0x96: {  	s24 =	sadd.s32 $0x1, s24;
	[sflag:s14] =	ssyncset.done $0x0  }
0x97: {  	p0 =	sne.s32 s24, s8;
	[sflag:s14] =	ssyncadd.s32 $0xFFFFC000  }
.Ltmp2:
0x98: {  	[bflag:$0x0] =	sbarrier.arrive $0xFFFF;
	(pc) =	sbr.rel @p0 .LBB2_1-.Ltmp2, $4  }
0x99: {  	[hbm:s7], [sflag:s6] =	dma.local [spmem:s13], $0x2780  }
0x9a: {  	_ =	swait.ge [sflag:s14], $0x2780  }
0x9b: {  	[sflag:s14] =	ssyncset.done $0x0  }
0x9c: {  	[sflag:s14] =	ssyncadd.s32 $0xFFFFD880  }
0x9d: {  	_ =	sfence.sel $0x180000  }
0x9e: {  	[bflag:$0x0] =	sbarrier.arrive $0xFFFF  }
0x9f: {  	p0 =	sne.s32 s1, $0x0;
	_ =	strace $0x9000004A  }
0xa0: {  	s0 =	sadd.s32 @!p0 $0x100000, s0;
	[bflag:$0x2] =	sbarrier.arrive $0xFFFF  }
0xa1: {  	[sflag:s0] =	ssyncadd.tile.s32 @!p0 $0x1;
	_ =	shalt  }
.Lfunc_end2:
_tile_overlayer_lowered:
.L_overlay_start_2:
0xa2: {  	(tag) =	ssettag $0x2  }
0xa3: {  	s0 =	rddreg [dreg:$0x0];
	s2 =	stileid.u32  }
0xa4: {  	s1 =	rddreg [dreg:$0x1];
	p0 =	sne.s32 s2, $0x0  }
0xa5: {  	s3 =	rddreg [dreg:$0x2];
	[bflag:$0x3] =	sbarrier.arrive $0xFFFF;
	s2 =	simm.s32 @!p0 $0x1C03  }
0xa6: {  	[timem:s3], [sflag:s2] =	dma.local @!p0 [hbm:s0], s1  }
0xa7: {  	s0 =	simm.s32 @!p0 $0x3  }
0xa8: {  	_ =	swait.ge @!p0 [sflag:s0], s1  }
0xa9: {  	s1 =	ssub.s32 @!p0 $0x0, s1;
	[sflag:s0] =	ssyncset.done @!p0 $0x0  }
0xaa: {  	[sflag:s0] =	ssyncadd.s32 @!p0 s1  }
0xab: {  	[bflag:$0x3] =	sbarrier.arrive $0xFFFF  }
0xac: {  	_ =	shalt  }

// kernel: kernel.15.cloned.1.call-start
scs
__scs_entry_jumppad:
0x0: {  	(pc) =	sbr.rel $0x88, $3  }
0x1: {  	(tag) =	ssettag $0x0;
	lr =	simm.s32 $0x1  }
0x2: {  	[smem:$0x3F96] =	sst lr;
	_ =	strace $0xD0000000  }
0x3: {  	_ = 	snop  }
0x4: {  	_ = 	snop  }
0x5: {  	_ = 	snop  }
0x6: {  	_ = 	snop  }
0x7: {  	_ = 	snop  }
__scs_overlays_trampoline_lowered:
0x8: {  	[smem:$0x3FA5] =	sst s0  }
0x9: {  	[smem:$0x3FA6] =	sst s1  }
0xa: {  	[smem:$0x3FA7] =	sst s2  }
0xb: {  	[smem:$0x3FA8] =	sst s3  }
0xc: {  	[smem:$0x3FA9] =	sst s4  }
0xd: {  	[smem:$0x3FAA] =	sst s5  }
0xe: {  	[smem:$0x3FAB] =	sst s6  }
0xf: {  	[smem:$0x3FAC] =	sst s7  }
0x10: {  	[smem:$0x3FAD] =	sst s8  }
0x11: {  	[smem:$0x3FAE] =	sst s9;
	s0 =	simm.s32 @!p0 $0x0  }
0x12: {  	s1 =	sld [smem:$0x3F94];
	s0 =	simm.s32 @p0 $0x1  }
0x13: {  	[smem:$0x3FAF] =	sst s0;
	s0 =	simm.s32 @!p1 $0x0  }
0x14: {  	s2 =	sld [smem:$0x3F93];
	s0 =	simm.s32 @p1 $0x1  }
0x15: {  	[smem:$0x3FB0] =	sst s0;
	s0 =	simm.s32 @!p2 $0x0  }
0x16: {  	s3 =	sld [smem:$0x3FDB];
	s0 =	simm.s32 @p2 $0x1  }
0x17: {  	s4 =	simm.s32 $0x1BF5;
	[smem:$0x3FB2] =	sst s0  }
0x18: {  	s0 =	sld [smem:$0x3F95];
	_ =	swait.ge [sflag:s4], $0x0  }
0x19: {  	s7 =	sld [smem:$0x3F96]  }
0x1a: {  	s8 =	sadd.s32 $0xFFFFE003, lr  }
0x1b: {  	s9 =	sadd.s32 $0xFFFFFEF7, lr;
	s5 =	simm.s32 $0xFFFFFFFF;
	p2 =	slt.u32 s8, $0xFFFFF086  }
0x1c: {  	p1 =	slt.u32 s9, $0xF7A;
	s5 =	simm.s32 @!p2 $0x0  }
0x1d: {  	s5 =	simm.s32 @p1 $0x1;
	p0 =	seq.s32 s7, s2  }
0x1e: {  	s7 =	smul.u32 @!p0 $0xF7A, s2;
	p2 =	seq.s32 @!p0 s5, $0x0  }
0x1f: {  	s9 =	smul.u32 $0xF7A, s1;
	s8 =	simm.s32 @!p0 $0x1BF5;
	p2 =	por !p2, p0  }
0x20: {  	[sflag:s8] =	ssyncset.s32 @!p0 $0xFFFFF086;
	s6 =	sadd.s32 @!p0 s3, s7;
	s7 =	simm.s32 @!p0 $0x108  }
0x21: {  	s3 =	sadd.s32 s3, s9;
	s6 =	sadd.s32 @!p0 $0x88, s6;
	s7 =	simm.s32 @p2 $0x1082  }
0x22: {  	[simem:s7], [sflag:s8] =	dma.local @!p0 [hbm:s6], $0xF7A  }
0x23: {  	s9 =	sor.u32 $0xD0000000, s2;
	s6 =	simm.s32 $0x108;
	_ =	swait.ge @!p0 [sflag:s8], $0x0  }
0x24: {  	s3 =	sadd.s32 $0x88, s3;
	s6 =	simm.s32 @!p1 $0x1082;
	[sflag:s4] =	ssyncset.s32 $0xFFFFF086  }
0x25: {  	[simem:s6], [sflag:s4] =	dma.local [hbm:s3], $0xF7A  }
0x26: {  	[smem:$0x3F96] =	sst s1;
	(tag) =	ssettag s2;
	_ =	strace s9  }
0x27: {  	s1 =	sld [smem:$0x3FA6]  }
0x28: {  	s2 =	sld [smem:$0x3FA7]  }
0x29: {  	s4 =	sld [smem:$0x3FA9]  }
0x2a: {  	p0 =	seq.s32 s5, $0x0;
	s5 =	sld [smem:$0x3FAA]  }
0x2b: {  	s6 =	sld [smem:$0x3FAB]  }
0x2c: {  	s7 =	sld [smem:$0x3FAC]  }
0x2d: {  	s3 =	simm.s32 $0x108;
	s8 =	sld [smem:$0x3FAD]  }
0x2e: {  	s3 =	simm.s32 @!p0 $0x1082;
	s9 =	sld [smem:$0x3FAE]  }
0x2f: {  	lr =	sadd.s32 s0, s3;
	s0 =	sld [smem:$0x3FA5]  }
0x30: {  	s3 =	sld [smem:$0x3FA8]  }
0x31: {  	[smem:$0x3FB1] =	sst s10  }
0x32: {  	s10 =	sld [smem:$0x3FAF];
	_ =	sdelay $0x3  }
0x33: {  	p0 =	seq.s32 s10, $0x1;
	s10 =	sld [smem:$0x3FB1];
	_ =	sdelay $0x3  }
0x34: {  	[smem:$0x3FB1] =	sst s10  }
0x35: {  	s10 =	sld [smem:$0x3FB0];
	_ =	sdelay $0x3  }
0x36: {  	p1 =	seq.s32 s10, $0x1;
	s10 =	sld [smem:$0x3FB1];
	_ =	sdelay $0x3  }
0x37: {  	[smem:$0x3FB1] =	sst s10  }
0x38: {  	s10 =	sld [smem:$0x3FB2]  }
0x39: {  	_ = 	snop;
	(pc) =	sbr.ind lr, $3  }
0x3a: {  	_ = 	snop  }
0x3b: {  	_ = 	snop  }
0x3c: {  	p2 =	seq.s32 s10, $0x1;
	s10 =	sld [smem:$0x3FB1]  }
0x3d: {  	_ =	shalt  }
0x3e: {  	_ =	shalt  }
0x3f: {  	_ =	shalt  }
0x40: {  	_ =	shalt  }
0x41: {  	_ =	shalt  }
0x42: {  	_ =	shalt  }
0x43: {  	_ =	shalt  }
0x44: {  	_ =	shalt  }
0x45: {  	_ =	shalt  }
0x46: {  	_ =	shalt  }
0x47: {  	_ =	shalt  }
0x48: {  	_ =	shalt  }
0x49: {  	_ =	shalt  }
0x4a: {  	_ =	shalt  }
0x4b: {  	_ =	shalt  }
0x4c: {  	_ =	shalt  }
0x4d: {  	_ =	shalt  }
0x4e: {  	_ =	shalt  }
0x4f: {  	_ =	shalt  }
0x50: {  	_ =	shalt  }
0x51: {  	_ =	shalt  }
0x52: {  	_ =	shalt  }
0x53: {  	_ =	shalt  }
0x54: {  	_ =	shalt  }
0x55: {  	_ =	shalt  }
0x56: {  	_ =	shalt  }
0x57: {  	_ =	shalt  }
0x58: {  	_ =	shalt  }
0x59: {  	_ =	shalt  }
0x5a: {  	_ =	shalt  }
0x5b: {  	_ =	shalt  }
0x5c: {  	_ =	shalt  }
0x5d: {  	_ =	shalt  }
0x5e: {  	_ =	shalt  }
0x5f: {  	_ =	shalt  }
0x60: {  	_ =	shalt  }
0x61: {  	_ =	shalt  }
0x62: {  	_ =	shalt  }
0x63: {  	_ =	shalt  }
0x64: {  	_ =	shalt  }
0x65: {  	_ =	shalt  }
0x66: {  	_ =	shalt  }
0x67: {  	_ =	shalt  }
0x68: {  	_ =	shalt  }
0x69: {  	_ =	shalt  }
0x6a: {  	_ =	shalt  }
0x6b: {  	_ =	shalt  }
0x6c: {  	_ =	shalt  }
0x6d: {  	_ =	shalt  }
0x6e: {  	_ =	shalt  }
0x6f: {  	_ =	shalt  }
0x70: {  	_ =	shalt  }
0x71: {  	_ =	shalt  }
0x72: {  	_ =	shalt  }
0x73: {  	_ =	shalt  }
0x74: {  	_ =	shalt  }
0x75: {  	_ =	shalt  }
0x76: {  	_ =	shalt  }
0x77: {  	_ =	shalt  }
0x78: {  	_ =	shalt  }
0x79: {  	_ =	shalt  }
0x7a: {  	_ =	shalt  }
0x7b: {  	_ =	shalt  }
0x7c: {  	_ =	shalt  }
0x7d: {  	_ =	shalt  }
0x7e: {  	_ =	shalt  }
0x7f: {  	_ =	shalt  }
0x80: {  	_ =	shalt  }
0x81: {  	_ =	shalt  }
0x82: {  	_ =	shalt  }
0x83: {  	_ =	shalt  }
0x84: {  	_ =	shalt  }
0x85: {  	_ =	shalt  }
0x86: {  	_ =	shalt  }
0x87: {  	_ =	shalt  }
.Lfunc_end0:
.L_simem_size_0:
called_computation.2_lowered:
.L_overlay_start_0:
0x88: {  	s2 =	sld [smem:$0x3FD9]  }
0x89: {  	s3 =	sld [smem:$0x3FFE];
	_ =	sdelay $0x1  }
0x8a: {  	s1 =	srdreg.scid  }
0x8b: {  	s0 =	sand.u32 $0x1, s1  }
0x8c: {  	s16 =	sshll.u32 s0, $0xA;
	s2 =	sadd.s32 s3, s2  }
0x8d: {  	s2 =	sadd.s32 s2, s16  }
0x8e: {  	[smem:$0x3FBD] =	sst s2  }
0x8f: {  	_ = 	snop  }
0x90: {  	(tm) =	ssettm $0x1  }
0x91: {  	s17 =	sld [smem:$0x3FFB];
	_ =	sdelay $0x3  }
0x92: {  	_ =	strace s17  }
0x93: {  	s2 =	sld [smem:$0x3FFC];
	_ =	sdelay $0x3  }
0x94: {  	_ =	strace s2  }
0x95: {  	s2 =	sld [smem:$0x3FFD];
	_ =	sdelay $0x3  }
0x96: {  	_ =	strace s2  }
0x97: {  	_ =	strace $0x8FFFFFFF  }
0x98: {  	s18 =	sld [smem:$0x3FDB];
	_ =	sdelay $0x1  }
0x99: {  	s19 =	simm.s32 $_scs_section_size  }
0x9a: {  	s4 =	simm.s32 $_size__tile_overlayer_lowered;
	s5 =	simm.s32 $_tile_overlayer_lowered  }
0x9b: {  	s22 =	simm.s32 $0x1BFF;
	s21 =	sshll.u32 s5, $0x1;
	s2 =	sadd.s32 s19, s18  }
0x9c: {  	s6 =	simm.s32 $0x0;
	s20 =	sshll.u32 s4, $0x1;
	s4 =	sadd.s32 s21, s2  }
0x9d: {  	[timem:s6], [sflag:s22] =	dma.local [hbm:s4], s20  }
0x9e: {  	_ =	swait.ge [sflag:s22], s20  }
0x9f: {  	s3 =	ssub.s32 $0x0, s20;
	[sflag:s22] =	ssyncset.done $0x0  }
0xa0: {  	[sflag:s22] =	ssyncadd.s32 s3;
	_ =	sdelay $0x1  }
0xa1: {  	s23 =	simm.s32 $0x1B8B  }
0xa2: {  	_ =	swait.ge [sflag:s23], $0x1  }
0xa3: {  	[sflag:s23] =	ssyncset.done $0x0  }
0xa4: {  	s25 =	simm.s32 $0x1B8E;
	s24 =	sld [smem:$0x3FFE];
	[sflag:s23] =	ssyncadd.s32 $0xFFFFFFFF  }
0xa5: {  	s26 =	simm.s32 $execute0_lowered;
	[smem:$0x3FD2] =	sst s25  }
0xa6: {  	s4 =	sshll.u32 s26, $0x1;
	_ =	strace $0x8000004C;
	[dreg:$0x1] =	wrdreg $0xFFFFFFFF  }
0xa7: {  	s28 =	simm.s32 $_size_execute0_lowered;
	s2 =	sadd.s32 s2, s4;
	[dreg:$0x0] =	wrdreg $0x0  }
0xa8: {  	s4 =	sshll.u32 s28, $0x1;
	[dreg:$0x2] =	wrdreg s2  }
0xa9: {  	[dreg:$0x3] =	wrdreg s4  }
0xaa: {  	[dreg:$0x4] =	wrdreg $0xC0  }
0xab: {  	_ =	task [dreg:s6], $0x5FFFF  }
0xac: {  	[dreg:$0x1] =	wrdreg $0xFFFFFFFF  }
0xad: {  	[dreg:$0x0] =	wrdreg $0x60  }
0xae: {  	[dreg:$0x2] =	wrdreg s24  }
0xaf: {  	[dreg:$0x3] =	wrdreg $0xA8000  }
0xb0: {  	[dreg:$0x4] =	wrdreg $0x9  }
0xb1: {  	_ =	task.clear_ibuf [dreg:s6], $0x5FFFF;
	_ =	strace $0x9000004C  }
0xb2: {  	s29 =	simm.s32 $0x9;
	_ =	strace $0x8000004E  }
0xb3: {  	_ =	swait.ge [sflag:s29], $0x1  }
0xb4: {  	[sflag:s29] =	ssyncadd.s32 $0xFFFFFFFF  }
0xb5: {  	_ =	strace $0x9000004E  }
0xb6: {  	_ =	sfence  }
0xb7: {  	s30 =	sld [smem:$0x0];
	_ =	sdelay $0x2  }
0xb8: {  	s31 =	sshll.u32 s1, $0xD;
	s1 =	sshrl.u32 s1, $0x2  }
0xb9: {  	s3 =	sand.u32 $0x4000, s31;
	s1 =	sadd.s32 s1, s30  }
0xba: {  	s0 =	sor.u32 s3, s0;
	s1 =	sshll.u32 s1, $0x11  }
0xbb: {  	s0 =	sor.u32 s1, s0  }
0xbc: {  	s0 =	sadd.s32 $0x8F2B, s0  }
0xbd: {  	[sflag:s0] =	ssyncadd.remote.s32 $0x1  }
0xbe: {  	_ =	sfence.sel $0xFFFF  }
0xbf: {  	[dreg:$0x0] =	wrdreg $0xFFFFFFFF;
	(pc) =	sbr.abs _section_cstart, $3  }
0xc0: {  	[dreg:$0x1] =	wrdreg $0xFFFFFFFF  }
0xc1: {  	_ =	task.clear_ibuf [dreg:s6], $0x2FFFF;
	_ =	strace $0x9FFFFFFF  }
0xc2: {  	(tm) =	ssettm $0x7FFFFFFF  }
0xc3: {  	_ =	shalt  }
tec
execute0_lowered:
.L_overlay_start_1:
0x0: {  	(tag) =	ssettag $0x1  }
0x1: {  	s5 =	rddreg [dreg:$0x0]  }
0x2: {  	s2 =	rddreg [dreg:$0x1]  }
0x3: {  	s0 =	rddreg [dreg:$0x2]  }
0x4: {  	s3 =	simm.s32 $0x0;
	s1 =	stileid.u32;
	s4 =	srdreg.scid  }
0x5: {  	s15 =	simm.s32 $0x1400;
	s16 =	simm.s32 $0x80;
	s17 =	simm.s32 $0x2800  }
0x6: {  	s18 =	simm.s32 $0x1;
	s19 =	simm.s32 $0x6800;
	s20 =	simm.s32 $0x2  }
0x7: {  	s21 =	simm.s32 $0x1380;
	s22 =	simm.s32 $0x2700;
	[smem:$0x7FF] =	sst s3  }
0x8: {  	s6 =	smul.u32 $0x2780, s1;
	s7 =	sand.u32 $0x1, s4;
	s4 =	sadd.s32 $0x3DC00, s5  }
0x9: {  	s11 =	sadd.s32 $0x2400, s5;
	s12 =	sadd.s32 $0xC400, s5;
	s10 =	smul.u32 $0x4F000, s1  }
0xa: {  	s29 =	sshll.u32 s1, $0x6;
	_ =	strace $0x8000004D;
	s8 =	smul.u32 $0x27800, s7  }
0xb: {  	s23 =	ssub.s32 $0x2, s7;
	s25 =	sshll.u32 s7, $0x4;
	s9 =	sadd.s32 s6, s5  }
0xc: {  	s24 =	sshrl.u32 s23, $0x1;
	s26 =	sor.u32 s1, s25;
	s28 =	sshrl.u32 s10, $0x2  }
0xd: {  	s6 =	sadd.s32 s6, s8;
	s8 =	ssub.s32 s23, s24;
	s14 =	sadd.s32 s28, s2  }
0xe: {  	s30 =	smul.u32 $0x500, s26;
	s23 =	simm.s32 $0x2780;
	s24 =	simm.s32 $0x0  }
0xf: {  	s13 =	sadd.s32 s6, s5;
	s5 =	sadd.s32 $0x16400, s9;
	s6 =	sor.u32 $0x1C03, s29  }
0x10: {  	s8 =	smax.u32 s8, $0x1;
	s7 =	sadd.s32 $0x65400, s13;
	s9 =	sadd.s32 s11, s30  }
0x11: {  	s31 =	sadd.s32 $0x280, s30;
	s10 =	sadd.s32 s12, s30;
	s13 =	sshrl.u32 s14, $0x3  }
0x12: {  	s14 =	simm.s32 $0x3;
	s11 =	sadd.s32 s11, s31;
	s12 =	sadd.s32 s12, s31  }
.LBB2_1:
0x13: {  	[spmem:s13], [sflag:s6] =	dma.local [hbm:s5], $0x2780  }
0x14: {  	_ =	swait.ge [sflag:s14], $0x2780  }
0x15: {  	[sflag:s14] =	ssyncset.done $0x0  }
0x16: {  	[sflag:s14] =	ssyncadd.s32 $0xFFFFD880  }
0x17: {  	[bflag:$0x0] =	sbarrier.arrive $0xFFFF  }
0x18: {  	[tilespmem:s3], [sflag:$0x3] =	stream.linear.gather [hbm4b:s9+s3], $0x1400, $0x38;
	[tilespmem:$0x1E400] =	vst v63  }
0x19: {  	_ =	swait.ge [sflag:s14], $0x1400  }
0x1a: {  	[sflag:s14] =	ssyncset.done $0x0  }
0x1b: {  	[sflag:s14] =	ssyncadd.s32 $0xFFFFEC00  }
0x1c: {  	[tilespmem:s15], [sflag:$0x3] =	stream.linear.gather [hbm4b:s10+s3], $0x1400, $0x38;
	[tilespmem:$0x1E400] =	vst v63  }
0x1d: {  	_ =	swait.ge [sflag:s14], $0x1400  }
0x1e: {  	[sflag:s14] =	ssyncset.done $0x0  }
0x1f: {  	[sflag:s14] =	ssyncadd.s32 $0xFFFFEC00  }
0x20: {  	[tilespmem:s17], [sflag:$0x1] =	stream.indirect.gather [hbm4b:s4+s16], $0x80, s3, s16, $0xb8;
	[tilespmem:$0x1E400] =	vst v63  }
0x21: {  	_ =	swait.ge [sflag:s18], $0x4000  }
0x22: {  	[sflag:s18] =	ssyncset.done $0x0  }
0x23: {  	s25 =	simm.s32 $0x80;
	[sflag:s18] =	ssyncadd.s32 $0xFFFFC000  }
0x24: {  	[tilespmem:s19], [sflag:$0x2] =	stream.indirect.gather [hbm4b:s4+s16], $0x80, s25, s16, $0xb8;
	[tilespmem:$0x1E400] =	vst v63  }
0x25: {  	s29 =	simm.s32 $0x1400  }
0x26: {  	[spmem:s2] =	stream.indirect.scatter.add.f32 [tilespmem:s17], [sflag:$0x3], $0x80, s29, s16, $0xb8;
	[tilespmem:$0x1E400] =	vst v63  }
0x27: {  	_ =	swait.ge [sflag:s14], $0x4000  }
0x28: {  	[sflag:s14] =	ssyncset.done $0x0  }
0x29: {  	[sflag:s14] =	ssyncadd.s32 $0xFFFFC000  }
0x2a: {  	_ =	swait.ge [sflag:s20], $0x4000  }
0x2b: {  	[sflag:s20] =	ssyncset.done $0x0  }
0x2c: {  	s30 =	simm.s32 $0x100;
	[sflag:s20] =	ssyncadd.s32 $0xFFFFC000  }
0x2d: {  	[tilespmem:s17], [sflag:$0x1] =	stream.indirect.gather [hbm4b:s4+s16], $0x80, s30, s16, $0xb8;
	[tilespmem:$0x1E400] =	vst v63  }
0x2e: {  	s31 =	simm.s32 $0x1480  }
0x2f: {  	[spmem:s2] =	stream.indirect.scatter.add.f32 [tilespmem:s19], [sflag:$0x3], $0x80, s31, s16, $0xb8;
	[tilespmem:$0x1E400] =	vst v63  }
0x30: {  	_ =	swait.ge [sflag:s14], $0x4000  }
0x31: {  	s25 =	simm.s32 $0x400;
	[sflag:s14] =	ssyncset.done $0x0  }
.LBB2_2:
0x32: {  	p0 =	sne.s32 s25, $0x4800  }
0x33: {  	[sflag:s14] =	ssyncadd.s32 $0xFFFFC000;
	s26 =	smov.u32 s25;
	s25 =	sadd.s32 $0x400, s25  }
0x34: {  	_ = 	snop  }
0x35: {  	_ =	swait.ge [sflag:s18], $0x4000  }
0x36: {  	s26 =	sshra.s32 s26, $0x2;
	[sflag:s18] =	ssyncset.done $0x0  }
0x37: {  	s28 =	sadd.s32 $0x80, s26;
	[sflag:s18] =	ssyncadd.s32 $0xFFFFC000  }
0x38: {  	[tilespmem:s19], [sflag:$0x2] =	stream.indirect.gather [hbm4b:s4+s16], $0x80, s28, s16, $0xb8;
	[tilespmem:$0x1E400] =	vst v63  }
0x39: {  	s28 =	sadd.s32 $0x1400, s26  }
0x3a: {  	[spmem:s2] =	stream.indirect.scatter.add.f32 [tilespmem:s17], [sflag:$0x3], $0x80, s28, s16, $0xb8;
	[tilespmem:$0x1E400] =	vst v63  }
0x3b: {  	_ =	swait.ge [sflag:s14], $0x4000  }
0x3c: {  	[sflag:s14] =	ssyncset.done $0x0  }
0x3d: {  	[sflag:s14] =	ssyncadd.s32 $0xFFFFC000  }
0x3e: {  	_ =	swait.ge [sflag:s20], $0x4000  }
0x3f: {  	[sflag:s20] =	ssyncset.done $0x0  }
0x40: {  	s28 =	sadd.s32 $0x100, s26;
	[sflag:s20] =	ssyncadd.s32 $0xFFFFC000  }
0x41: {  	[tilespmem:s17], [sflag:$0x1] =	stream.indirect.gather [hbm4b:s4+s16], $0x80, s28, s16, $0xb8;
	[tilespmem:$0x1E400] =	vst v63  }
.Ltmp0:
0x42: {  	_ = 	snop;
	(pc) =	sbr.rel @p0 .LBB2_2-.Ltmp0, $4  }
0x43: {  	s26 =	sadd.s32 $0x1480, s26  }
0x44: {  	[spmem:s2] =	stream.indirect.scatter.add.f32 [tilespmem:s19], [sflag:$0x3], $0x80, s26, s16, $0xb8;
	[tilespmem:$0x1E400] =	vst v63  }
0x45: {  	_ =	swait.ge [sflag:s14], $0x4000  }
0x46: {  	[sflag:s14] =	ssyncset.done $0x0  }
0x47: {  	[sflag:s14] =	ssyncadd.s32 $0xFFFFC000  }
0x48: {  	_ =	swait.ge [sflag:s18], $0x4000  }
0x49: {  	[sflag:s18] =	ssyncset.done $0x0  }
0x4a: {  	[sflag:s18] =	ssyncadd.s32 $0xFFFFC000  }
0x4b: {  	[tilespmem:s19], [sflag:$0x2] =	stream.indirect.gather [hbm4b:s4+s16], $0x80, s21, s16, $0xb8;
	[tilespmem:$0x1E400] =	vst v63  }
0x4c: {  	_ = 	snop  }
0x4d: {  	[spmem:s2] =	stream.indirect.scatter.add.f32 [tilespmem:s17], [sflag:$0x3], $0x80, s22, s16, $0xb8;
	[tilespmem:$0x1E400] =	vst v63  }
0x4e: {  	_ =	swait.ge [sflag:s14], $0x4000  }
0x4f: {  	[sflag:s14] =	ssyncset.done $0x0  }
0x50: {  	[sflag:s14] =	ssyncadd.s32 $0xFFFFC000  }
0x51: {  	_ =	swait.ge [sflag:s20], $0x4000  }
0x52: {  	[sflag:s20] =	ssyncset.done $0x0  }
0x53: {  	[sflag:s20] =	ssyncadd.s32 $0xFFFFC000  }
0x54: {  	[spmem:s2] =	stream.indirect.scatter.add.f32 [tilespmem:s19], [sflag:$0x3], $0x80, s23, s16, $0xb8;
	[tilespmem:$0x1E400] =	vst v63  }
0x55: {  	_ =	swait.ge [sflag:s14], $0x4000  }
0x56: {  	[sflag:s14] =	ssyncset.done $0x0  }
0x57: {  	s25 =	simm.s32 $0x0;
	[sflag:s14] =	ssyncadd.s32 $0xFFFFC000  }
0x58: {  	[tilespmem:s25], [sflag:$0x3] =	stream.linear.gather [hbm4b:s11+s25], $0x1400, $0x38;
	[tilespmem:$0x1E400] =	vst v63  }
0x59: {  	_ =	swait.ge [sflag:s14], $0x1400  }
0x5a: {  	[sflag:s14] =	ssyncset.done $0x0  }
0x5b: {  	[sflag:s14] =	ssyncadd.s32 $0xFFFFEC00  }
0x5c: {  	[tilespmem:s15], [sflag:$0x3] =	stream.linear.gather [hbm4b:s12+s25], $0x1400, $0x38;
	[tilespmem:$0x1E400] =	vst v63  }
0x5d: {  	_ =	swait.ge [sflag:s14], $0x1400  }
0x5e: {  	[sflag:s14] =	ssyncset.done $0x0  }
0x5f: {  	[sflag:s14] =	ssyncadd.s32 $0xFFFFEC00  }
0x60: {  	[tilespmem:s17], [sflag:$0x1] =	stream.indirect.gather [hbm4b:s4+s16], $0x80, s25, s16, $0xb8;
	[tilespmem:$0x1E400] =	vst v63  }
0x61: {  	_ =	swait.ge [sflag:s18], $0x4000  }
0x62: {  	[sflag:s18] =	ssyncset.done $0x0  }
0x63: {  	s28 =	simm.s32 $0x80;
	[sflag:s18] =	ssyncadd.s32 $0xFFFFC000  }
0x64: {  	[tilespmem:s19], [sflag:$0x2] =	stream.indirect.gather [hbm4b:s4+s16], $0x80, s28, s16, $0xb8;
	[tilespmem:$0x1E400] =	vst v63  }
0x65: {  	s29 =	simm.s32 $0x1400  }
0x66: {  	[spmem:s2] =	stream.indirect.scatter.add.f32 [tilespmem:s17], [sflag:$0x3], $0x80, s29, s16, $0xb8;
	[tilespmem:$0x1E400] =	vst v63  }
0x67: {  	_ =	swait.ge [sflag:s14], $0x4000  }
0x68: {  	[sflag:s14] =	ssyncset.done $0x0  }
0x69: {  	[sflag:s14] =	ssyncadd.s32 $0xFFFFC000  }
0x6a: {  	_ =	swait.ge [sflag:s20], $0x4000  }
0x6b: {  	[sflag:s20] =	ssyncset.done $0x0  }
0x6c: {  	s30 =	simm.s32 $0x100;
	[sflag:s20] =	ssyncadd.s32 $0xFFFFC000  }
0x6d: {  	[tilespmem:s17], [sflag:$0x1] =	stream.indirect.gather [hbm4b:s4+s16], $0x80, s30, s16, $0xb8;
	[tilespmem:$0x1E400] =	vst v63  }
0x6e: {  	s31 =	simm.s32 $0x1480  }
0x6f: {  	[spmem:s2] =	stream.indirect.scatter.add.f32 [tilespmem:s19], [sflag:$0x3], $0x80, s31, s16, $0xb8;
	[tilespmem:$0x1E400] =	vst v63  }
0x70: {  	_ =	swait.ge [sflag:s14], $0x4000  }
0x71: {  	s25 =	simm.s32 $0x400;
	[sflag:s14] =	ssyncset.done $0x0  }
.LBB2_4:
0x72: {  	p0 =	sne.s32 s25, $0x4800  }
0x73: {  	[sflag:s14] =	ssyncadd.s32 $0xFFFFC000;
	s26 =	smov.u32 s25;
	s25 =	sadd.s32 $0x400, s25  }
0x74: {  	_ = 	snop  }
0x75: {  	_ =	swait.ge [sflag:s18], $0x4000  }
0x76: {  	s26 =	sshra.s32 s26, $0x2;
	[sflag:s18] =	ssyncset.done $0x0  }
0x77: {  	s28 =	sadd.s32 $0x80, s26;
	[sflag:s18] =	ssyncadd.s32 $0xFFFFC000  }
0x78: {  	[tilespmem:s19], [sflag:$0x2] =	stream.indirect.gather [hbm4b:s4+s16], $0x80, s28, s16, $0xb8;
	[tilespmem:$0x1E400] =	vst v63  }
0x79: {  	s28 =	sadd.s32 $0x1400, s26  }
0x7a: {  	[spmem:s2] =	stream.indirect.scatter.add.f32 [tilespmem:s17], [sflag:$0x3], $0x80, s28, s16, $0xb8;
	[tilespmem:$0x1E400] =	vst v63  }
0x7b: {  	_ =	swait.ge [sflag:s14], $0x4000  }
0x7c: {  	[sflag:s14] =	ssyncset.done $0x0  }
0x7d: {  	[sflag:s14] =	ssyncadd.s32 $0xFFFFC000  }
0x7e: {  	_ =	swait.ge [sflag:s20], $0x4000  }
0x7f: {  	[sflag:s20] =	ssyncset.done $0x0  }
0x80: {  	s28 =	sadd.s32 $0x100, s26;
	[sflag:s20] =	ssyncadd.s32 $0xFFFFC000  }
0x81: {  	[tilespmem:s17], [sflag:$0x1] =	stream.indirect.gather [hbm4b:s4+s16], $0x80, s28, s16, $0xb8;
	[tilespmem:$0x1E400] =	vst v63  }
.Ltmp1:
0x82: {  	_ = 	snop;
	(pc) =	sbr.rel @p0 .LBB2_4-.Ltmp1, $4  }
0x83: {  	s26 =	sadd.s32 $0x1480, s26  }
0x84: {  	[spmem:s2] =	stream.indirect.scatter.add.f32 [tilespmem:s19], [sflag:$0x3], $0x80, s26, s16, $0xb8;
	[tilespmem:$0x1E400] =	vst v63  }
0x85: {  	_ =	swait.ge [sflag:s14], $0x4000  }
0x86: {  	[sflag:s14] =	ssyncset.done $0x0  }
0x87: {  	[sflag:s14] =	ssyncadd.s32 $0xFFFFC000  }
0x88: {  	_ =	swait.ge [sflag:s18], $0x4000  }
0x89: {  	[sflag:s18] =	ssyncset.done $0x0  }
0x8a: {  	[sflag:s18] =	ssyncadd.s32 $0xFFFFC000  }
0x8b: {  	[tilespmem:s19], [sflag:$0x2] =	stream.indirect.gather [hbm4b:s4+s16], $0x80, s21, s16, $0xb8;
	[tilespmem:$0x1E400] =	vst v63  }
0x8c: {  	_ = 	snop  }
0x8d: {  	[spmem:s2] =	stream.indirect.scatter.add.f32 [tilespmem:s17], [sflag:$0x3], $0x80, s22, s16, $0xb8;
	[tilespmem:$0x1E400] =	vst v63  }
0x8e: {  	_ =	swait.ge [sflag:s14], $0x4000  }
0x8f: {  	[sflag:s14] =	ssyncset.done $0x0  }
0x90: {  	[sflag:s14] =	ssyncadd.s32 $0xFFFFC000  }
0x91: {  	_ =	swait.ge [sflag:s20], $0x4000  }
0x92: {  	[sflag:s20] =	ssyncset.done $0x0  }
0x93: {  	[sflag:s20] =	ssyncadd.s32 $0xFFFFC000  }
0x94: {  	[spmem:s2] =	stream.indirect.scatter.add.f32 [tilespmem:s19], [sflag:$0x3], $0x80, s23, s16, $0xb8;
	[tilespmem:$0x1E400] =	vst v63  }
0x95: {  	_ =	swait.ge [sflag:s14], $0x4000  }
0x96: {  	s24 =	sadd.s32 $0x1, s24;
	[sflag:s14] =	ssyncset.done $0x0  }
0x97: {  	p0 =	sne.s32 s24, s8;
	[sflag:s14] =	ssyncadd.s32 $0xFFFFC000  }
.Ltmp2:
0x98: {  	[bflag:$0x0] =	sbarrier.arrive $0xFFFF;
	(pc) =	sbr.rel @p0 .LBB2_1-.Ltmp2, $4  }
0x99: {  	[hbm:s7], [sflag:s6] =	dma.local [spmem:s13], $0x2780  }
0x9a: {  	_ =	swait.ge [sflag:s14], $0x2780  }
0x9b: {  	[sflag:s14] =	ssyncset.done $0x0  }
0x9c: {  	[sflag:s14] =	ssyncadd.s32 $0xFFFFD880  }
0x9d: {  	_ =	sfence.sel $0x180000  }
0x9e: {  	[bflag:$0x0] =	sbarrier.arrive $0xFFFF  }
0x9f: {  	p0 =	sne.s32 s1, $0x0;
	_ =	strace $0x9000004D  }
0xa0: {  	s0 =	sadd.s32 @!p0 $0x100000, s0;
	[bflag:$0x2] =	sbarrier.arrive $0xFFFF  }
0xa1: {  	[sflag:s0] =	ssyncadd.tile.s32 @!p0 $0x1;
	_ =	shalt  }
.Lfunc_end2:
_tile_overlayer_lowered:
.L_overlay_start_2:
0xa2: {  	(tag) =	ssettag $0x2  }
0xa3: {  	s0 =	rddreg [dreg:$0x0];
	s2 =	stileid.u32  }
0xa4: {  	s1 =	rddreg [dreg:$0x1];
	p0 =	sne.s32 s2, $0x0  }
0xa5: {  	s3 =	rddreg [dreg:$0x2];
	[bflag:$0x3] =	sbarrier.arrive $0xFFFF;
	s2 =	simm.s32 @!p0 $0x1C03  }
0xa6: {  	[timem:s3], [sflag:s2] =	dma.local @!p0 [hbm:s0], s1  }
0xa7: {  	s0 =	simm.s32 @!p0 $0x3  }
0xa8: {  	_ =	swait.ge @!p0 [sflag:s0], s1  }
0xa9: {  	s1 =	ssub.s32 @!p0 $0x0, s1;
	[sflag:s0] =	ssyncset.done @!p0 $0x0  }
0xaa: {  	[sflag:s0] =	ssyncadd.s32 @!p0 s1  }
0xab: {  	[bflag:$0x3] =	sbarrier.arrive $0xFFFF  }
0xac: {  	_ =	shalt  }

// kernel: kernel.9.cloned.1.call-start
scs
__scs_entry_jumppad:
0x0: {  	(pc) =	sbr.rel $0x88, $3  }
0x1: {  	(tag) =	ssettag $0x0;
	lr =	simm.s32 $0x1  }
0x2: {  	[smem:$0x3F96] =	sst lr;
	_ =	strace $0xD0000000  }
0x3: {  	_ = 	snop  }
0x4: {  	_ = 	snop  }
0x5: {  	_ = 	snop  }
0x6: {  	_ = 	snop  }
0x7: {  	_ = 	snop  }
__scs_overlays_trampoline_lowered:
0x8: {  	[smem:$0x3FA5] =	sst s0  }
0x9: {  	[smem:$0x3FA6] =	sst s1  }
0xa: {  	[smem:$0x3FA7] =	sst s2  }
0xb: {  	[smem:$0x3FA8] =	sst s3  }
0xc: {  	[smem:$0x3FA9] =	sst s4  }
0xd: {  	[smem:$0x3FAA] =	sst s5  }
0xe: {  	[smem:$0x3FAB] =	sst s6  }
0xf: {  	[smem:$0x3FAC] =	sst s7  }
0x10: {  	[smem:$0x3FAD] =	sst s8  }
0x11: {  	[smem:$0x3FAE] =	sst s9;
	s0 =	simm.s32 @!p0 $0x0  }
0x12: {  	s1 =	sld [smem:$0x3F94];
	s0 =	simm.s32 @p0 $0x1  }
0x13: {  	[smem:$0x3FAF] =	sst s0;
	s0 =	simm.s32 @!p1 $0x0  }
0x14: {  	s2 =	sld [smem:$0x3F93];
	s0 =	simm.s32 @p1 $0x1  }
0x15: {  	[smem:$0x3FB0] =	sst s0;
	s0 =	simm.s32 @!p2 $0x0  }
0x16: {  	s3 =	sld [smem:$0x3FDB];
	s0 =	simm.s32 @p2 $0x1  }
0x17: {  	s4 =	simm.s32 $0x1BF5;
	[smem:$0x3FB2] =	sst s0  }
0x18: {  	s0 =	sld [smem:$0x3F95];
	_ =	swait.ge [sflag:s4], $0x0  }
0x19: {  	s7 =	sld [smem:$0x3F96]  }
0x1a: {  	s8 =	sadd.s32 $0xFFFFE003, lr  }
0x1b: {  	s9 =	sadd.s32 $0xFFFFFEF7, lr;
	s5 =	simm.s32 $0xFFFFFFFF;
	p2 =	slt.u32 s8, $0xFFFFF086  }
0x1c: {  	p1 =	slt.u32 s9, $0xF7A;
	s5 =	simm.s32 @!p2 $0x0  }
0x1d: {  	s5 =	simm.s32 @p1 $0x1;
	p0 =	seq.s32 s7, s2  }
0x1e: {  	s7 =	smul.u32 @!p0 $0xF7A, s2;
	p2 =	seq.s32 @!p0 s5, $0x0  }
0x1f: {  	s9 =	smul.u32 $0xF7A, s1;
	s8 =	simm.s32 @!p0 $0x1BF5;
	p2 =	por !p2, p0  }
0x20: {  	[sflag:s8] =	ssyncset.s32 @!p0 $0xFFFFF086;
	s6 =	sadd.s32 @!p0 s3, s7;
	s7 =	simm.s32 @!p0 $0x108  }
0x21: {  	s3 =	sadd.s32 s3, s9;
	s6 =	sadd.s32 @!p0 $0x88, s6;
	s7 =	simm.s32 @p2 $0x1082  }
0x22: {  	[simem:s7], [sflag:s8] =	dma.local @!p0 [hbm:s6], $0xF7A  }
0x23: {  	s9 =	sor.u32 $0xD0000000, s2;
	s6 =	simm.s32 $0x108;
	_ =	swait.ge @!p0 [sflag:s8], $0x0  }
0x24: {  	s3 =	sadd.s32 $0x88, s3;
	s6 =	simm.s32 @!p1 $0x1082;
	[sflag:s4] =	ssyncset.s32 $0xFFFFF086  }
0x25: {  	[simem:s6], [sflag:s4] =	dma.local [hbm:s3], $0xF7A  }
0x26: {  	[smem:$0x3F96] =	sst s1;
	(tag) =	ssettag s2;
	_ =	strace s9  }
0x27: {  	s1 =	sld [smem:$0x3FA6]  }
0x28: {  	s2 =	sld [smem:$0x3FA7]  }
0x29: {  	s4 =	sld [smem:$0x3FA9]  }
0x2a: {  	p0 =	seq.s32 s5, $0x0;
	s5 =	sld [smem:$0x3FAA]  }
0x2b: {  	s6 =	sld [smem:$0x3FAB]  }
0x2c: {  	s7 =	sld [smem:$0x3FAC]  }
0x2d: {  	s3 =	simm.s32 $0x108;
	s8 =	sld [smem:$0x3FAD]  }
0x2e: {  	s3 =	simm.s32 @!p0 $0x1082;
	s9 =	sld [smem:$0x3FAE]  }
0x2f: {  	lr =	sadd.s32 s0, s3;
	s0 =	sld [smem:$0x3FA5]  }
0x30: {  	s3 =	sld [smem:$0x3FA8]  }
0x31: {  	[smem:$0x3FB1] =	sst s10  }
0x32: {  	s10 =	sld [smem:$0x3FAF];
	_ =	sdelay $0x3  }
0x33: {  	p0 =	seq.s32 s10, $0x1;
	s10 =	sld [smem:$0x3FB1];
	_ =	sdelay $0x3  }
0x34: {  	[smem:$0x3FB1] =	sst s10  }
0x35: {  	s10 =	sld [smem:$0x3FB0];
	_ =	sdelay $0x3  }
0x36: {  	p1 =	seq.s32 s10, $0x1;
	s10 =	sld [smem:$0x3FB1];
	_ =	sdelay $0x3  }
0x37: {  	[smem:$0x3FB1] =	sst s10  }
0x38: {  	s10 =	sld [smem:$0x3FB2]  }
0x39: {  	_ = 	snop;
	(pc) =	sbr.ind lr, $3  }
0x3a: {  	_ = 	snop  }
0x3b: {  	_ = 	snop  }
0x3c: {  	p2 =	seq.s32 s10, $0x1;
	s10 =	sld [smem:$0x3FB1]  }
0x3d: {  	_ =	shalt  }
0x3e: {  	_ =	shalt  }
0x3f: {  	_ =	shalt  }
0x40: {  	_ =	shalt  }
0x41: {  	_ =	shalt  }
0x42: {  	_ =	shalt  }
0x43: {  	_ =	shalt  }
0x44: {  	_ =	shalt  }
0x45: {  	_ =	shalt  }
0x46: {  	_ =	shalt  }
0x47: {  	_ =	shalt  }
0x48: {  	_ =	shalt  }
0x49: {  	_ =	shalt  }
0x4a: {  	_ =	shalt  }
0x4b: {  	_ =	shalt  }
0x4c: {  	_ =	shalt  }
0x4d: {  	_ =	shalt  }
0x4e: {  	_ =	shalt  }
0x4f: {  	_ =	shalt  }
0x50: {  	_ =	shalt  }
0x51: {  	_ =	shalt  }
0x52: {  	_ =	shalt  }
0x53: {  	_ =	shalt  }
0x54: {  	_ =	shalt  }
0x55: {  	_ =	shalt  }
0x56: {  	_ =	shalt  }
0x57: {  	_ =	shalt  }
0x58: {  	_ =	shalt  }
0x59: {  	_ =	shalt  }
0x5a: {  	_ =	shalt  }
0x5b: {  	_ =	shalt  }
0x5c: {  	_ =	shalt  }
0x5d: {  	_ =	shalt  }
0x5e: {  	_ =	shalt  }
0x5f: {  	_ =	shalt  }
0x60: {  	_ =	shalt  }
0x61: {  	_ =	shalt  }
0x62: {  	_ =	shalt  }
0x63: {  	_ =	shalt  }
0x64: {  	_ =	shalt  }
0x65: {  	_ =	shalt  }
0x66: {  	_ =	shalt  }
0x67: {  	_ =	shalt  }
0x68: {  	_ =	shalt  }
0x69: {  	_ =	shalt  }
0x6a: {  	_ =	shalt  }
0x6b: {  	_ =	shalt  }
0x6c: {  	_ =	shalt  }
0x6d: {  	_ =	shalt  }
0x6e: {  	_ =	shalt  }
0x6f: {  	_ =	shalt  }
0x70: {  	_ =	shalt  }
0x71: {  	_ =	shalt  }
0x72: {  	_ =	shalt  }
0x73: {  	_ =	shalt  }
0x74: {  	_ =	shalt  }
0x75: {  	_ =	shalt  }
0x76: {  	_ =	shalt  }
0x77: {  	_ =	shalt  }
0x78: {  	_ =	shalt  }
0x79: {  	_ =	shalt  }
0x7a: {  	_ =	shalt  }
0x7b: {  	_ =	shalt  }
0x7c: {  	_ =	shalt  }
0x7d: {  	_ =	shalt  }
0x7e: {  	_ =	shalt  }
0x7f: {  	_ =	shalt  }
0x80: {  	_ =	shalt  }
0x81: {  	_ =	shalt  }
0x82: {  	_ =	shalt  }
0x83: {  	_ =	shalt  }
0x84: {  	_ =	shalt  }
0x85: {  	_ =	shalt  }
0x86: {  	_ =	shalt  }
0x87: {  	_ =	shalt  }
.Lfunc_end0:
.L_simem_size_0:
called_computation_lowered:
.L_overlay_start_0:
0x88: {  	s2 =	sld [smem:$0x3FD9]  }
0x89: {  	s3 =	sld [smem:$0x3FFE];
	_ =	sdelay $0x1  }
0x8a: {  	s1 =	srdreg.scid  }
0x8b: {  	s0 =	sand.u32 $0x1, s1  }
0x8c: {  	s17 =	sshll.u32 s0, $0xA;
	s2 =	sadd.s32 s3, s2  }
0x8d: {  	s2 =	sadd.s32 s2, s17  }
0x8e: {  	[smem:$0x3FBD] =	sst s2  }
0x8f: {  	_ = 	snop  }
0x90: {  	s2 =	sld [smem:$0x3FD0];
	(tm) =	ssettm $0x1  }
0x91: {  	s18 =	sld [smem:$0x3FFB];
	_ =	sdelay $0x3  }
0x92: {  	_ =	strace s18  }
0x93: {  	s3 =	sld [smem:$0x3FFC];
	_ =	sdelay $0x3  }
0x94: {  	_ =	strace s3  }
0x95: {  	s3 =	sld [smem:$0x3FFD];
	_ =	sdelay $0x3  }
0x96: {  	_ =	strace s3  }
0x97: {  	_ =	strace $0x8FFFFFFF  }
0x98: {  	s19 =	sld [smem:$0x3FDB];
	_ =	sdelay $0x1  }
0x99: {  	s4 =	simm.s32 $_scs_section_size  }
0x9a: {  	s5 =	simm.s32 $_size__tile_overlayer_lowered;
	s6 =	simm.s32 $_tile_overlayer_lowered  }
0x9b: {  	s22 =	simm.s32 $0x1BFF;
	s21 =	sshll.u32 s6, $0x1;
	s3 =	sadd.s32 s4, s19  }
0x9c: {  	s7 =	simm.s32 $0x0;
	s20 =	sshll.u32 s5, $0x1;
	s5 =	sadd.s32 s21, s3  }
0x9d: {  	[timem:s7], [sflag:s22] =	dma.local [hbm:s5], s20  }
0x9e: {  	_ =	swait.ge [sflag:s22], s20  }
0x9f: {  	s4 =	ssub.s32 $0x0, s20;
	[sflag:s22] =	ssyncset.done $0x0  }
0xa0: {  	[sflag:s22] =	ssyncadd.s32 s4;
	_ =	sdelay $0x1  }
0xa1: {  	s23 =	simm.s32 $0x1B8B  }
0xa2: {  	_ =	swait.ge [sflag:s23], $0x1  }
0xa3: {  	[sflag:s23] =	ssyncset.done $0x0  }
0xa4: {  	s25 =	simm.s32 $0x1B8E;
	s24 =	sld [smem:$0x3FFE];
	[sflag:s23] =	ssyncadd.s32 $0xFFFFFFFF  }
0xa5: {  	s26 =	simm.s32 $execute0_lowered;
	[smem:$0x3FD2] =	sst s25  }
0xa6: {  	s5 =	sshll.u32 s26, $0x1;
	_ =	strace $0x80000046;
	[dreg:$0x1] =	wrdreg $0xFFFFFFFF  }
0xa7: {  	s28 =	simm.s32 $_size_execute0_lowered;
	s3 =	sadd.s32 s3, s5;
	[dreg:$0x0] =	wrdreg $0x0  }
0xa8: {  	s5 =	sshll.u32 s28, $0x1;
	[dreg:$0x2] =	wrdreg s3  }
0xa9: {  	[dreg:$0x3] =	wrdreg s5  }
0xaa: {  	[dreg:$0x4] =	wrdreg $0xC0  }
0xab: {  	_ =	task [dreg:s7], $0x5FFFF  }
0xac: {  	[dreg:$0x1] =	wrdreg $0xFFFFFFFF  }
0xad: {  	[dreg:$0x0] =	wrdreg $0x60  }
0xae: {  	[dreg:$0x2] =	wrdreg s2  }
0xaf: {  	[dreg:$0x3] =	wrdreg s24  }
0xb0: {  	[dreg:$0x4] =	wrdreg $0xA8000  }
0xb1: {  	[dreg:$0x5] =	wrdreg $0x9  }
0xb2: {  	_ =	task.clear_ibuf [dreg:s7], $0x6FFFF;
	_ =	strace $0x90000046  }
0xb3: {  	s29 =	simm.s32 $0x9;
	_ =	strace $0x80000048  }
0xb4: {  	_ =	swait.ge [sflag:s29], $0x1  }
0xb5: {  	[sflag:s29] =	ssyncadd.s32 $0xFFFFFFFF  }
0xb6: {  	_ =	strace $0x90000048  }
0xb7: {  	_ =	sfence  }
0xb8: {  	s30 =	sld [smem:$0x0];
	_ =	sdelay $0x2  }
0xb9: {  	s31 =	sshll.u32 s1, $0xD;
	s1 =	sshrl.u32 s1, $0x2  }
0xba: {  	s3 =	sand.u32 $0x4000, s31;
	s1 =	sadd.s32 s1, s30  }
0xbb: {  	s0 =	sor.u32 s3, s0;
	s1 =	sshll.u32 s1, $0x11  }
0xbc: {  	s0 =	sor.u32 s1, s0  }
0xbd: {  	s0 =	sadd.s32 $0x8F2B, s0  }
0xbe: {  	[sflag:s0] =	ssyncadd.remote.s32 $0x1  }
0xbf: {  	_ =	sfence.sel $0xFFFF  }
0xc0: {  	[dreg:$0x0] =	wrdreg $0xFFFFFFFF;
	(pc) =	sbr.abs _section_cstart, $3  }
0xc1: {  	[dreg:$0x1] =	wrdreg $0xFFFFFFFF  }
0xc2: {  	_ =	task.clear_ibuf [dreg:s7], $0x2FFFF;
	_ =	strace $0x9FFFFFFF  }
0xc3: {  	(tm) =	ssettm $0x7FFFFFFF  }
tec
execute0_lowered:
.L_overlay_start_1:
0x0: {  	(tag) =	ssettag $0x1  }
0x1: {  	s1 =	rddreg [dreg:$0x0]  }
0x2: {  	s5 =	rddreg [dreg:$0x1]  }
0x3: {  	s3 =	rddreg [dreg:$0x2]  }
0x4: {  	s0 =	rddreg [dreg:$0x3];
	s4 =	simm.s32 $0x0;
	s2 =	stileid.u32  }
0x5: {  	s6 =	srdreg.scid;
	s15 =	simm.s32 $0x1400;
	s16 =	simm.s32 $0x80  }
0x6: {  	s17 =	simm.s32 $0x2800;
	s18 =	simm.s32 $0x1;
	s19 =	simm.s32 $0x6800  }
0x7: {  	s20 =	simm.s32 $0x2;
	s21 =	simm.s32 $0x1380;
	s22 =	simm.s32 $0x2700  }
0x8: {  	s23 =	simm.s32 $0x2780;
	s24 =	simm.s32 $0x0;
	[smem:$0x7FF] =	sst s4  }
0x9: {  	s7 =	smul.u32 $0x2780, s2;
	s6 =	sand.u32 $0x1, s6;
	s11 =	sadd.s32 $0x3DC00, s5  }
0xa: {  	s12 =	sadd.s32 $0xC400, s5;
	s10 =	smul.u32 $0x4F000, s2;
	s30 =	sshll.u32 s2, $0x6  }
0xb: {  	_ =	strace $0x80000047;
	s8 =	smul.u32 $0x27800, s6;
	s25 =	ssub.s32 $0x2, s6  }
0xc: {  	s6 =	sshll.u32 s6, $0x4;
	s9 =	sadd.s32 s7, s5;
	s26 =	sshrl.u32 s25, $0x1  }
0xd: {  	s28 =	sor.u32 s2, s6;
	s29 =	sshrl.u32 s10, $0x2;
	s6 =	sor.u32 $0x1C03, s30  }
0xe: {  	s7 =	sadd.s32 s7, s8;
	s8 =	ssub.s32 s25, s26;
	s13 =	sadd.s32 s29, s3  }
0xf: {  	s31 =	smul.u32 $0x500, s28;
	s7 =	sadd.s32 s7, s5;
	s5 =	sadd.s32 $0x16400, s9  }
0x10: {  	s8 =	smax.u32 s8, $0x1;
	s13 =	sshrl.u32 s13, $0x3;
	s7 =	sadd.s32 $0x47C00, s7  }
0x11: {  	s9 =	sadd.s32 s11, s31;
	s14 =	sadd.s32 $0x280, s31;
	s10 =	sadd.s32 s12, s31  }
0x12: {  	s11 =	sadd.s32 s11, s14;
	s12 =	sadd.s32 s12, s14;
	s14 =	simm.s32 $0x3  }
.LBB2_1:
0x13: {  	[spmem:s13], [sflag:s6] =	dma.local [hbm:s5], $0x2780  }
0x14: {  	_ =	swait.ge [sflag:s14], $0x2780  }
0x15: {  	[sflag:s14] =	ssyncset.done $0x0  }
0x16: {  	[sflag:s14] =	ssyncadd.s32 $0xFFFFD880  }
0x17: {  	[bflag:$0x0] =	sbarrier.arrive $0xFFFF  }
0x18: {  	[tilespmem:s4], [sflag:$0x3] =	stream.linear.gather [hbm4b:s9+s4], $0x1400, $0x38;
	[tilespmem:$0x1E400] =	vst v63  }
0x19: {  	_ =	swait.ge [sflag:s14], $0x1400  }
0x1a: {  	[sflag:s14] =	ssyncset.done $0x0  }
0x1b: {  	[sflag:s14] =	ssyncadd.s32 $0xFFFFEC00  }
0x1c: {  	[tilespmem:s15], [sflag:$0x3] =	stream.linear.gather [hbm4b:s10+s4], $0x1400, $0x38;
	[tilespmem:$0x1E400] =	vst v63  }
0x1d: {  	_ =	swait.ge [sflag:s14], $0x1400  }
0x1e: {  	[sflag:s14] =	ssyncset.done $0x0  }
0x1f: {  	[sflag:s14] =	ssyncadd.s32 $0xFFFFEC00  }
0x20: {  	[tilespmem:s17], [sflag:$0x1] =	stream.indirect.gather [hbm4b:s1+s16], $0x80, s4, s16, $0xb8;
	[tilespmem:$0x1E400] =	vst v63  }
0x21: {  	_ =	swait.ge [sflag:s18], $0x4000  }
0x22: {  	[sflag:s18] =	ssyncset.done $0x0  }
0x23: {  	s25 =	simm.s32 $0x80;
	[sflag:s18] =	ssyncadd.s32 $0xFFFFC000  }
0x24: {  	[tilespmem:s19], [sflag:$0x2] =	stream.indirect.gather [hbm4b:s1+s16], $0x80, s25, s16, $0xb8;
	[tilespmem:$0x1E400] =	vst v63  }
0x25: {  	s29 =	simm.s32 $0x1400  }
0x26: {  	[spmem:s3] =	stream.indirect.scatter.add.f32 [tilespmem:s17], [sflag:$0x3], $0x80, s29, s16, $0xb8;
	[tilespmem:$0x1E400] =	vst v63  }
0x27: {  	_ =	swait.ge [sflag:s14], $0x4000  }
0x28: {  	[sflag:s14] =	ssyncset.done $0x0  }
0x29: {  	[sflag:s14] =	ssyncadd.s32 $0xFFFFC000  }
0x2a: {  	_ =	swait.ge [sflag:s20], $0x4000  }
0x2b: {  	[sflag:s20] =	ssyncset.done $0x0  }
0x2c: {  	s30 =	simm.s32 $0x100;
	[sflag:s20] =	ssyncadd.s32 $0xFFFFC000  }
0x2d: {  	[tilespmem:s17], [sflag:$0x1] =	stream.indirect.gather [hbm4b:s1+s16], $0x80, s30, s16, $0xb8;
	[tilespmem:$0x1E400] =	vst v63  }
0x2e: {  	s31 =	simm.s32 $0x1480  }
0x2f: {  	[spmem:s3] =	stream.indirect.scatter.add.f32 [tilespmem:s19], [sflag:$0x3], $0x80, s31, s16, $0xb8;
	[tilespmem:$0x1E400] =	vst v63  }
0x30: {  	_ =	swait.ge [sflag:s14], $0x4000  }
0x31: {  	s25 =	simm.s32 $0x400;
	[sflag:s14] =	ssyncset.done $0x0  }
.LBB2_2:
0x32: {  	p0 =	sne.s32 s25, $0x4800  }
0x33: {  	[sflag:s14] =	ssyncadd.s32 $0xFFFFC000;
	s26 =	smov.u32 s25;
	s25 =	sadd.s32 $0x400, s25  }
0x34: {  	_ = 	snop  }
0x35: {  	_ =	swait.ge [sflag:s18], $0x4000  }
0x36: {  	s26 =	sshra.s32 s26, $0x2;
	[sflag:s18] =	ssyncset.done $0x0  }
0x37: {  	s28 =	sadd.s32 $0x80, s26;
	[sflag:s18] =	ssyncadd.s32 $0xFFFFC000  }
0x38: {  	[tilespmem:s19], [sflag:$0x2] =	stream.indirect.gather [hbm4b:s1+s16], $0x80, s28, s16, $0xb8;
	[tilespmem:$0x1E400] =	vst v63  }
0x39: {  	s28 =	sadd.s32 $0x1400, s26  }
0x3a: {  	[spmem:s3] =	stream.indirect.scatter.add.f32 [tilespmem:s17], [sflag:$0x3], $0x80, s28, s16, $0xb8;
	[tilespmem:$0x1E400] =	vst v63  }
0x3b: {  	_ =	swait.ge [sflag:s14], $0x4000  }
0x3c: {  	[sflag:s14] =	ssyncset.done $0x0  }
0x3d: {  	[sflag:s14] =	ssyncadd.s32 $0xFFFFC000  }
0x3e: {  	_ =	swait.ge [sflag:s20], $0x4000  }
0x3f: {  	[sflag:s20] =	ssyncset.done $0x0  }
0x40: {  	s28 =	sadd.s32 $0x100, s26;
	[sflag:s20] =	ssyncadd.s32 $0xFFFFC000  }
0x41: {  	[tilespmem:s17], [sflag:$0x1] =	stream.indirect.gather [hbm4b:s1+s16], $0x80, s28, s16, $0xb8;
	[tilespmem:$0x1E400] =	vst v63  }
.Ltmp0:
0x42: {  	_ = 	snop;
	(pc) =	sbr.rel @p0 .LBB2_2-.Ltmp0, $4  }
0x43: {  	s26 =	sadd.s32 $0x1480, s26  }
0x44: {  	[spmem:s3] =	stream.indirect.scatter.add.f32 [tilespmem:s19], [sflag:$0x3], $0x80, s26, s16, $0xb8;
	[tilespmem:$0x1E400] =	vst v63  }
0x45: {  	_ =	swait.ge [sflag:s14], $0x4000  }
0x46: {  	[sflag:s14] =	ssyncset.done $0x0  }
0x47: {  	[sflag:s14] =	ssyncadd.s32 $0xFFFFC000  }
0x48: {  	_ =	swait.ge [sflag:s18], $0x4000  }
0x49: {  	[sflag:s18] =	ssyncset.done $0x0  }
0x4a: {  	[sflag:s18] =	ssyncadd.s32 $0xFFFFC000  }
0x4b: {  	[tilespmem:s19], [sflag:$0x2] =	stream.indirect.gather [hbm4b:s1+s16], $0x80, s21, s16, $0xb8;
	[tilespmem:$0x1E400] =	vst v63  }
0x4c: {  	_ = 	snop  }
0x4d: {  	[spmem:s3] =	stream.indirect.scatter.add.f32 [tilespmem:s17], [sflag:$0x3], $0x80, s22, s16, $0xb8;
	[tilespmem:$0x1E400] =	vst v63  }
0x4e: {  	_ =	swait.ge [sflag:s14], $0x4000  }
0x4f: {  	[sflag:s14] =	ssyncset.done $0x0  }
0x50: {  	[sflag:s14] =	ssyncadd.s32 $0xFFFFC000  }
0x51: {  	_ =	swait.ge [sflag:s20], $0x4000  }
0x52: {  	[sflag:s20] =	ssyncset.done $0x0  }
0x53: {  	[sflag:s20] =	ssyncadd.s32 $0xFFFFC000  }
0x54: {  	[spmem:s3] =	stream.indirect.scatter.add.f32 [tilespmem:s19], [sflag:$0x3], $0x80, s23, s16, $0xb8;
	[tilespmem:$0x1E400] =	vst v63  }
0x55: {  	_ =	swait.ge [sflag:s14], $0x4000  }
0x56: {  	[sflag:s14] =	ssyncset.done $0x0  }
0x57: {  	s25 =	simm.s32 $0x0;
	[sflag:s14] =	ssyncadd.s32 $0xFFFFC000  }
0x58: {  	[tilespmem:s25], [sflag:$0x3] =	stream.linear.gather [hbm4b:s11+s25], $0x1400, $0x38;
	[tilespmem:$0x1E400] =	vst v63  }
0x59: {  	_ =	swait.ge [sflag:s14], $0x1400  }
0x5a: {  	[sflag:s14] =	ssyncset.done $0x0  }
0x5b: {  	[sflag:s14] =	ssyncadd.s32 $0xFFFFEC00  }
0x5c: {  	[tilespmem:s15], [sflag:$0x3] =	stream.linear.gather [hbm4b:s12+s25], $0x1400, $0x38;
	[tilespmem:$0x1E400] =	vst v63  }
0x5d: {  	_ =	swait.ge [sflag:s14], $0x1400  }
0x5e: {  	[sflag:s14] =	ssyncset.done $0x0  }
0x5f: {  	[sflag:s14] =	ssyncadd.s32 $0xFFFFEC00  }
0x60: {  	[tilespmem:s17], [sflag:$0x1] =	stream.indirect.gather [hbm4b:s1+s16], $0x80, s25, s16, $0xb8;
	[tilespmem:$0x1E400] =	vst v63  }
0x61: {  	_ =	swait.ge [sflag:s18], $0x4000  }
0x62: {  	[sflag:s18] =	ssyncset.done $0x0  }
0x63: {  	s28 =	simm.s32 $0x80;
	[sflag:s18] =	ssyncadd.s32 $0xFFFFC000  }
0x64: {  	[tilespmem:s19], [sflag:$0x2] =	stream.indirect.gather [hbm4b:s1+s16], $0x80, s28, s16, $0xb8;
	[tilespmem:$0x1E400] =	vst v63  }
0x65: {  	s29 =	simm.s32 $0x1400  }
0x66: {  	[spmem:s3] =	stream.indirect.scatter.add.f32 [tilespmem:s17], [sflag:$0x3], $0x80, s29, s16, $0xb8;
	[tilespmem:$0x1E400] =	vst v63  }
0x67: {  	_ =	swait.ge [sflag:s14], $0x4000  }
0x68: {  	[sflag:s14] =	ssyncset.done $0x0  }
0x69: {  	[sflag:s14] =	ssyncadd.s32 $0xFFFFC000  }
0x6a: {  	_ =	swait.ge [sflag:s20], $0x4000  }
0x6b: {  	[sflag:s20] =	ssyncset.done $0x0  }
0x6c: {  	s30 =	simm.s32 $0x100;
	[sflag:s20] =	ssyncadd.s32 $0xFFFFC000  }
0x6d: {  	[tilespmem:s17], [sflag:$0x1] =	stream.indirect.gather [hbm4b:s1+s16], $0x80, s30, s16, $0xb8;
	[tilespmem:$0x1E400] =	vst v63  }
0x6e: {  	s31 =	simm.s32 $0x1480  }
0x6f: {  	[spmem:s3] =	stream.indirect.scatter.add.f32 [tilespmem:s19], [sflag:$0x3], $0x80, s31, s16, $0xb8;
	[tilespmem:$0x1E400] =	vst v63  }
0x70: {  	_ =	swait.ge [sflag:s14], $0x4000  }
0x71: {  	s25 =	simm.s32 $0x400;
	[sflag:s14] =	ssyncset.done $0x0  }
.LBB2_4:
0x72: {  	p0 =	sne.s32 s25, $0x4800  }
0x73: {  	[sflag:s14] =	ssyncadd.s32 $0xFFFFC000;
	s26 =	smov.u32 s25;
	s25 =	sadd.s32 $0x400, s25  }
0x74: {  	_ = 	snop  }
0x75: {  	_ =	swait.ge [sflag:s18], $0x4000  }
0x76: {  	s26 =	sshra.s32 s26, $0x2;
	[sflag:s18] =	ssyncset.done $0x0  }
0x77: {  	s28 =	sadd.s32 $0x80, s26;
	[sflag:s18] =	ssyncadd.s32 $0xFFFFC000  }
0x78: {  	[tilespmem:s19], [sflag:$0x2] =	stream.indirect.gather [hbm4b:s1+s16], $0x80, s28, s16, $0xb8;
	[tilespmem:$0x1E400] =	vst v63  }
0x79: {  	s28 =	sadd.s32 $0x1400, s26  }
0x7a: {  	[spmem:s3] =	stream.indirect.scatter.add.f32 [tilespmem:s17], [sflag:$0x3], $0x80, s28, s16, $0xb8;
	[tilespmem:$0x1E400] =	vst v63  }
0x7b: {  	_ =	swait.ge [sflag:s14], $0x4000  }
0x7c: {  	[sflag:s14] =	ssyncset.done $0x0  }
0x7d: {  	[sflag:s14] =	ssyncadd.s32 $0xFFFFC000  }
0x7e: {  	_ =	swait.ge [sflag:s20], $0x4000  }
0x7f: {  	[sflag:s20] =	ssyncset.done $0x0  }
0x80: {  	s28 =	sadd.s32 $0x100, s26;
	[sflag:s20] =	ssyncadd.s32 $0xFFFFC000  }
0x81: {  	[tilespmem:s17], [sflag:$0x1] =	stream.indirect.gather [hbm4b:s1+s16], $0x80, s28, s16, $0xb8;
	[tilespmem:$0x1E400] =	vst v63  }
.Ltmp1:
0x82: {  	_ = 	snop;
	(pc) =	sbr.rel @p0 .LBB2_4-.Ltmp1, $4  }
0x83: {  	s26 =	sadd.s32 $0x1480, s26  }
0x84: {  	[spmem:s3] =	stream.indirect.scatter.add.f32 [tilespmem:s19], [sflag:$0x3], $0x80, s26, s16, $0xb8;
	[tilespmem:$0x1E400] =	vst v63  }
0x85: {  	_ =	swait.ge [sflag:s14], $0x4000  }
0x86: {  	[sflag:s14] =	ssyncset.done $0x0  }
0x87: {  	[sflag:s14] =	ssyncadd.s32 $0xFFFFC000  }
0x88: {  	_ =	swait.ge [sflag:s18], $0x4000  }
0x89: {  	[sflag:s18] =	ssyncset.done $0x0  }
0x8a: {  	[sflag:s18] =	ssyncadd.s32 $0xFFFFC000  }
0x8b: {  	[tilespmem:s19], [sflag:$0x2] =	stream.indirect.gather [hbm4b:s1+s16], $0x80, s21, s16, $0xb8;
	[tilespmem:$0x1E400] =	vst v63  }
0x8c: {  	_ = 	snop  }
0x8d: {  	[spmem:s3] =	stream.indirect.scatter.add.f32 [tilespmem:s17], [sflag:$0x3], $0x80, s22, s16, $0xb8;
	[tilespmem:$0x1E400] =	vst v63  }
0x8e: {  	_ =	swait.ge [sflag:s14], $0x4000  }
0x8f: {  	[sflag:s14] =	ssyncset.done $0x0  }
0x90: {  	[sflag:s14] =	ssyncadd.s32 $0xFFFFC000  }
0x91: {  	_ =	swait.ge [sflag:s20], $0x4000  }
0x92: {  	[sflag:s20] =	ssyncset.done $0x0  }
0x93: {  	[sflag:s20] =	ssyncadd.s32 $0xFFFFC000  }
0x94: {  	[spmem:s3] =	stream.indirect.scatter.add.f32 [tilespmem:s19], [sflag:$0x3], $0x80, s23, s16, $0xb8;
	[tilespmem:$0x1E400] =	vst v63  }
0x95: {  	_ =	swait.ge [sflag:s14], $0x4000  }
0x96: {  	s24 =	sadd.s32 $0x1, s24;
	[sflag:s14] =	ssyncset.done $0x0  }
0x97: {  	p0 =	sne.s32 s24, s8;
	[sflag:s14] =	ssyncadd.s32 $0xFFFFC000  }
.Ltmp2:
0x98: {  	[bflag:$0x0] =	sbarrier.arrive $0xFFFF;
	(pc) =	sbr.rel @p0 .LBB2_1-.Ltmp2, $4  }
0x99: {  	[hbm:s7], [sflag:s6] =	dma.local [spmem:s13], $0x2780  }
0x9a: {  	_ =	swait.ge [sflag:s14], $0x2780  }
0x9b: {  	[sflag:s14] =	ssyncset.done $0x0  }
0x9c: {  	[sflag:s14] =	ssyncadd.s32 $0xFFFFD880  }
0x9d: {  	_ =	sfence.sel $0x180000  }
0x9e: {  	[bflag:$0x0] =	sbarrier.arrive $0xFFFF  }
0x9f: {  	p0 =	sne.s32 s2, $0x0;
	_ =	strace $0x90000047  }
0xa0: {  	s0 =	sadd.s32 @!p0 $0x100000, s0;
	[bflag:$0x2] =	sbarrier.arrive $0xFFFF  }
0xa1: {  	[sflag:s0] =	ssyncadd.tile.s32 @!p0 $0x1;
	_ =	shalt  }
.Lfunc_end2:
_tile_overlayer_lowered:
.L_overlay_start_2:
0xa2: {  	(tag) =	ssettag $0x2  }
0xa3: {  	s0 =	rddreg [dreg:$0x0];
	s2 =	stileid.u32  }
0xa4: {  	s1 =	rddreg [dreg:$0x1];
	p0 =	sne.s32 s2, $0x0  }
0xa5: {  	s3 =	rddreg [dreg:$0x2];
	[bflag:$0x3] =	sbarrier.arrive $0xFFFF;
	s2 =	simm.s32 @!p0 $0x1C03  }
0xa6: {  	[timem:s3], [sflag:s2] =	dma.local @!p0 [hbm:s0], s1  }
0xa7: {  	s0 =	simm.s32 @!p0 $0x3  }
0xa8: {  	_ =	swait.ge @!p0 [sflag:s0], s1  }
0xa9: {  	s1 =	ssub.s32 @!p0 $0x0, s1;
	[sflag:s0] =	ssyncset.done @!p0 $0x0  }
0xaa: {  	[sflag:s0] =	ssyncadd.s32 @!p0 s1  }
0xab: {  	[bflag:$0x3] =	sbarrier.arrive $0xFFFF  }
0xac: {  	_ =	shalt  }

</sc_bundles>
